<compile_context>
chip_gen: v7x
topology: tpu7x:2x2x1
jax: 0.10.2.dev20260603
libtpu: 0.0.44.dev20260713+nightly
codegen_flags: <defaults>
</compile_context>

<pallas_src>
import functools

import ml_dtypes
import numpy as np
import jax
import jax.numpy as jnp
from jax import lax
from jax.experimental import pallas as pl
from jax.experimental.pallas import tpu as pltpu
from jax.experimental.pallas import tpu_sc as plsc

_K_RATIO = 0.5
_KSIZE = 5
_SIGMA = 1.0


def _gauss_2d_bf16():
    c = _KSIZE // 2
    x, y = np.mgrid[0 - c:_KSIZE - c, 0 - c:_KSIZE - c]
    gk = 1.0 / (2.0 * np.pi * _SIGMA) * np.exp(
        -(np.square(x) + np.square(y)) / (2.0 * np.square(_SIGMA)))
    gk32 = gk.astype(np.float32)
    return gk32.astype(ml_dtypes.bfloat16).astype(np.float32)


def _tc_body(bands_ref, conf_ref, wm_ref, bits_ref, thr_ref, pad_ref, cm_ref):
    A = conf_ref.shape[2]
    Lm1, H, W = cm_ref.shape
    K = int(H * W * _K_RATIO)
    P = _KSIZE // 2

    m = conf_ref[0, 1:, 0]
    for a in range(1, A):
        m = jnp.maximum(m, conf_ref[0, 1:, a])
    s = jax.nn.sigmoid(m) * wm_ref[0, 1:, 0]

    pad_ref[...] = jnp.zeros_like(pad_ref)
    pad_ref[:, P:P + H, P:P + W] = s.astype(jnp.bfloat16)
    for l in range(Lm1):
        acc = jnp.zeros((H, W), jnp.float32)
        for dy in range(_KSIZE):
            acc += lax.dot_general(
                pad_ref[l, dy:dy + H, :], bands_ref[dy],
                (((1,), (0,)), ((), ())),
                preferred_element_type=jnp.float32)
        cm_ref[l] = acc

    bits = lax.bitcast_convert_type(cm_ref[...], jnp.int32)
    bits_ref[0] = bits

    def step(_, lohi):
        lo, hi = lohi
        mid = lo + (hi - lo + 1) // 2
        cnt = jnp.sum((bits >= mid).astype(jnp.int32), axis=(1, 2),
                      keepdims=True)
        big = cnt >= K
        return jnp.where(big, mid, lo), jnp.where(big, hi, mid - 1)

    lo0 = jnp.zeros((Lm1, 1, 1), jnp.int32)
    hi0 = jnp.full((Lm1, 1, 1), 0x3F800000, jnp.int32)
    lo, _ = lax.fori_loop(0, 30, step, (lo0, hi0))
    thr_ref[0] = jnp.broadcast_to(lo.reshape(Lm1, 1), (Lm1, thr_ref.shape[2]))


def _sc_mask_kernel(n_maps, n_elems):
    mesh = plsc.VectorSubcoreMesh(core_axis_name="c", subcore_axis_name="s")

    half = n_elems // 2
    unroll = 8

    @functools.partial(
        pl.kernel, mesh=mesh,
        out_type=[
            jax.ShapeDtypeStruct((n_maps * 2, half), jnp.float32),
            jax.ShapeDtypeStruct((n_maps * 2, 16), jnp.int32),
        ],
        scratch_types=[
            pltpu.VMEM((1, half), jnp.int32),
            pltpu.VMEM((1, half), jnp.float32),
            pltpu.VMEM((1, 16), jnp.int32),
            pltpu.VMEM((1, 16), jnp.int32),
        ],
    )
    def k(bits_hbm, thr_hbm, mask_hbm, cnt_hbm, buf, outb, thrb, cntb):
        c = lax.axis_index("c")
        s = lax.axis_index("s")
        w = s * 2 + c

        @pl.when(w < n_maps * 2)
        def _():
            pltpu.sync_copy(bits_hbm.at[pl.ds(w, 1)], buf)
            pltpu.sync_copy(thr_hbm.at[pl.ds(w, 1)], thrb)
            t = thrb[0, :]
            one = jnp.ones((16,), jnp.float32)
            zero = jnp.zeros((16,), jnp.float32)

            def body(j, cnt):
                for u in range(unroll):
                    off = (j * unroll + u) * 16
                    v = buf[0, pl.ds(off, 16)]
                    m = v >= t
                    outb[0, pl.ds(off, 16)] = jnp.where(m, one, zero)
                    cnt = cnt + jnp.where(m, 1, 0)
                return cnt

            cnt = lax.fori_loop(0, half // (16 * unroll), body,
                                jnp.zeros((16,), jnp.int32))
            cntb[0, :] = cnt
            pltpu.sync_copy(outb, mask_hbm.at[pl.ds(w, 1)])
            pltpu.sync_copy(cntb, cnt_hbm.at[pl.ds(w, 1)])

    return k


def kernel(batch_confidence_maps, B, batch_warp_maks_list, record_len,
           warp_vis_list, warp_conf_list, warp_x_list, gauss_kernel):
    Bs, L, A, H, W = batch_confidence_maps.shape
    P = _KSIZE // 2
    n_maps = Bs * (L - 1)

    gw = _gauss_2d_bf16()
    bands_np = np.zeros((_KSIZE, W + 2 * P, W), np.float32)
    cols = np.arange(W)
    for dy in range(_KSIZE):
        for dx in range(_KSIZE):
            bands_np[dy, cols + dx, cols] = gw[dy, dx]
    bands = jnp.asarray(bands_np, dtype=jnp.bfloat16)

    bits, thr = pl.pallas_call(
        _tc_body,
        grid=(Bs,),
        in_specs=[
            pl.BlockSpec((_KSIZE, W + 2 * P, W), lambda b: (0, 0, 0)),
            pl.BlockSpec((1, L, A, H, W), lambda b: (b, 0, 0, 0, 0)),
            pl.BlockSpec((1, L, 1, H, W), lambda b: (b, 0, 0, 0, 0)),
        ],
        out_specs=[
            pl.BlockSpec((1, L - 1, H, W), lambda b: (b, 0, 0, 0)),
            pl.BlockSpec((1, L - 1, 16), lambda b: (b, 0, 0)),
        ],
        out_shape=[
            jax.ShapeDtypeStruct((Bs, L - 1, H, W), jnp.int32),
            jax.ShapeDtypeStruct((Bs, L - 1, 16), jnp.int32),
        ],
        scratch_shapes=[
            pltpu.VMEM((L - 1, H + 2 * P, W + 2 * P), jnp.bfloat16),
            pltpu.VMEM((L - 1, H, W), jnp.float32),
        ],
        compiler_params=pltpu.CompilerParams(
            dimension_semantics=("arbitrary",)),
    )(bands, batch_confidence_maps, batch_warp_maks_list)

    sc = _sc_mask_kernel(n_maps, H * W)
    thr2 = jnp.repeat(thr.reshape(n_maps, 16), 2, axis=0)
    masks_ne, counts = sc(bits.reshape(n_maps * 2, (H * W) // 2), thr2)
    masks_ne = masks_ne.reshape(n_maps, H * W)

    masks_ne = masks_ne.reshape(Bs, L - 1, 1, H, W)
    ego = jnp.ones((Bs, 1, 1, H, W), jnp.float32)
    masks = jnp.concatenate([ego, masks_ne], axis=1).reshape(Bs * L, 1, H, W)

    cnt = jnp.sum(counts.astype(jnp.float32).reshape(Bs, L - 1, 32), axis=2)
    rates = jnp.sum(cnt, axis=1) / ((L - 1) * H * W)
    rate = jnp.sum(rates) / Bs
    return masks, rate

# --- scband reference (transcript-rebuilt; emitter-appended) ---
"""Pipeline reference for scband-mono-communication-13932873908845 (READ-ONLY COPY).

The authoritative reference and input builder live on the scoring server;
editing this copy changes nothing except your own understanding.
"""

import jax, jax.numpy as jnp
import numpy as np

K_RATIO = 0.5
KSIZE = 5
SIGMA = 1.0


def _gaussian_kernel(k_size=5, sigma=1.0):
    center = k_size // 2
    x, y = np.mgrid[0 - center:k_size - center, 0 - center:k_size - center]
    gk = 1.0 / (2.0 * np.pi * sigma) * np.exp(-(np.square(x) + np.square(y)) / (2.0 * np.square(sigma)))
    return jnp.asarray(gk, dtype=jnp.float32)[None, None]  # (1,1,k,k) OIHW


def setup_inputs(seed: int = 0) -> dict:
    key = jax.random.key(seed)
    B, L, A, H, W, C = 4, 5, 2, 128, 256, 32
    ks = jax.random.split(key, 6)
    return {
        "batch_confidence_maps": jax.random.normal(ks[0], (B, L, A, H, W), dtype=jnp.float32),
        "B": B,
        "batch_warp_maks_list": jax.random.uniform(ks[1], (B, L, 1, H, W), dtype=jnp.float32),
        "record_len": jnp.full((B,), L, dtype=jnp.int32),
        "warp_vis_list": jax.random.uniform(ks[2], (B, L, 1, H, W), dtype=jnp.float32),
        "warp_conf_list": jax.random.normal(ks[3], (B, L, A, H, W), dtype=jnp.float32),
        "warp_x_list": jax.random.normal(ks[4], (B, L, C, H, W), dtype=jnp.float32),
        "gauss_kernel": _gaussian_kernel(KSIZE, SIGMA),
    }


def reference(batch_confidence_maps, B, batch_warp_maks_list, record_len, warp_vis_list, warp_conf_list, warp_x_list, gauss_kernel):
    # eval-mode k_ratio path of (Mono)Communication.forward
    B_static, L, A, H, W = batch_confidence_maps.shape
    K = int(H * W * K_RATIO)
    masks = []
    rates = []
    for b in range(B_static):
        # per-batch confidence map: sigmoid then max over anchor dim (keepdim)
        ori = jnp.max(jax.nn.sigmoid(batch_confidence_maps[b]), axis=1, keepdims=True)  # (L,1,H,W)
        ori = ori * batch_warp_maks_list[b]
        # gaussian smoothing (frozen 5x5 conv, SAME padding, zero bias)
        cm = jax.lax.conv_general_dilated(
            ori, gauss_kernel, window_strides=(1, 1), padding="SAME",
            dimension_numbers=("NCHW", "OIHW", "NCHW"))
        cm = cm.reshape(L, H * W)
        # top-k selection and scatter-overwrite of ones into a zero mask
        _, idx = jax.lax.top_k(cm, K)  # (L, K)
        m = jnp.zeros_like(cm).at[jnp.arange(L)[:, None], idx].set(1.0)
        m = m.reshape(L, 1, H, W)
        # communication rate over non-ego agents (computed before owner override)
        rate = jnp.sum(m[1:]) / ((L - 1) * H * W)
        # ego/owner agent always fully transmitted
        m = m.at[0].set(1.0)
        masks.append(m)
        rates.append(rate)
    communication_masks = jnp.concatenate(masks, axis=0)  # (B*L,1,H,W)
    communication_rates = sum(rates) / B
    return (communication_masks, communication_rates)

if __name__ == "__main__":
    import jax
    _d = setup_inputs()
    print(jax.jit(kernel)(*tuple(_d.values())))

</pallas_src>

<mosaic_0001>
#map = affine_map<(d0, d1) -> (0, 0)>
module attributes {stable_mosaic.version = 14 : i64} {
  func.func @k(%arg0: i32, %arg1: i32, %arg2: memref<32x16384xi32, #tpu.memory_space<hbm>>, %arg3: memref<32x16xi32, #tpu.memory_space<hbm>>, %arg4: memref<32x16384xf32, #tpu.memory_space<hbm>>, %arg5: memref<32x16xi32, #tpu.memory_space<hbm>>, %arg6: memref<1x16384xi32, #tpu.memory_space<vmem>>, %arg7: memref<1x16384xf32, #tpu.memory_space<vmem>>, %arg8: memref<1x16xi32, #tpu.memory_space<vmem>>, %arg9: memref<1x16xi32, #tpu.memory_space<vmem>>) attributes {dimension_semantics = [#tpu.dimension_semantics<core_parallel>, #tpu.dimension_semantics<subcore_parallel>], iteration_bounds = array<i64: 2, 16>, scalar_prefetch = 0 : i64, scratch_operands = 4 : i64, tpu.core_type = #tpu.core_type<sc_vector_subcore>, window_params = [{transform_indices = #map}, {transform_indices = #map}, {transform_indices = #map}, {transform_indices = #map}]} {
    %mul3A = arith.constant 2 : i32
    %mul3A_0 = arith.muli %arg1, %mul3A : i32
    %add3A = arith.addi %mul3A_0, %arg0 : i32
    %lt3A = arith.constant 32 : i32
    %lt3A_1 = arith.cmpi slt, %add3A, %lt3A : i32
    %convert_element_type3A = arith.extui %lt3A_1 : i1 to i32
    %cond3A = arith.constant 0 : i32
    %cond3A_2 = arith.cmpi ne, %convert_element_type3A, %cond3A : i32
    scf.if %cond3A_2 {
      "tpu.region"() ({
        %run_scoped3A = tpu.sem_alloc : memref<!tpu.dma_semaphore, #tpu.memory_space<semaphore_mem>>
        %dma_start3A = arith.constant 0 : i32
        %dma_start3A_22 = tpu.memref_slice %arg2[%add3A, %dma_start3A] : memref<32x16384xi32, #tpu.memory_space<hbm>> -> memref<1x16384xi32, #tpu.memory_space<hbm>>
        %dma_start3A_23 = arith.constant 0 : i32
        %dma_start3A_24 = tpu.memref_slice %arg2[%add3A, %dma_start3A_23] : memref<32x16384xi32, #tpu.memory_space<hbm>> -> memref<1x16384xi32, #tpu.memory_space<hbm>>
        tpu.enqueue_dma source(%dma_start3A_24 : memref<1x16384xi32, #tpu.memory_space<hbm>>) target(%arg6 : memref<1x16384xi32, #tpu.memory_space<vmem>>) target_semaphore(%run_scoped3A : memref<!tpu.dma_semaphore, #tpu.memory_space<semaphore_mem>>)
        %dma_wait3A = arith.constant 0 : i32
        %dma_wait3A_25 = tpu.memref_slice %arg2[%add3A, %dma_wait3A] : memref<32x16384xi32, #tpu.memory_space<hbm>> -> memref<1x16384xi32, #tpu.memory_space<hbm>>
        %dma_wait3A_26 = arith.constant 0 : i32
        %dma_wait3A_27 = tpu.memref_slice %arg2[%add3A, %dma_wait3A_26] : memref<32x16384xi32, #tpu.memory_space<hbm>> -> memref<1x16384xi32, #tpu.memory_space<hbm>>
        tpu.wait_dma2 semaphore(%run_scoped3A : memref<!tpu.dma_semaphore, #tpu.memory_space<semaphore_mem>>) src(%dma_wait3A_27 : memref<1x16384xi32, #tpu.memory_space<hbm>>) dst(%arg6 : memref<1x16384xi32, #tpu.memory_space<vmem>>)
        tpu.yield
      }) : () -> ()
      "tpu.region"() ({
        %run_scoped3A = tpu.sem_alloc : memref<!tpu.dma_semaphore, #tpu.memory_space<semaphore_mem>>
        %dma_start3A = arith.constant 0 : i32
        %dma_start3A_22 = tpu.memref_slice %arg3[%add3A, %dma_start3A] : memref<32x16xi32, #tpu.memory_space<hbm>> -> memref<1x16xi32, #tpu.memory_space<hbm>>
        %dma_start3A_23 = arith.constant 0 : i32
        %dma_start3A_24 = tpu.memref_slice %arg3[%add3A, %dma_start3A_23] : memref<32x16xi32, #tpu.memory_space<hbm>> -> memref<1x16xi32, #tpu.memory_space<hbm>>
        tpu.enqueue_dma source(%dma_start3A_24 : memref<1x16xi32, #tpu.memory_space<hbm>>) target(%arg8 : memref<1x16xi32, #tpu.memory_space<vmem>>) target_semaphore(%run_scoped3A : memref<!tpu.dma_semaphore, #tpu.memory_space<semaphore_mem>>)
        %dma_wait3A = arith.constant 0 : i32
        %dma_wait3A_25 = tpu.memref_slice %arg3[%add3A, %dma_wait3A] : memref<32x16xi32, #tpu.memory_space<hbm>> -> memref<1x16xi32, #tpu.memory_space<hbm>>
        %dma_wait3A_26 = arith.constant 0 : i32
        %dma_wait3A_27 = tpu.memref_slice %arg3[%add3A, %dma_wait3A_26] : memref<32x16xi32, #tpu.memory_space<hbm>> -> memref<1x16xi32, #tpu.memory_space<hbm>>
        tpu.wait_dma2 semaphore(%run_scoped3A : memref<!tpu.dma_semaphore, #tpu.memory_space<semaphore_mem>>) src(%dma_wait3A_27 : memref<1x16xi32, #tpu.memory_space<hbm>>) dst(%arg8 : memref<1x16xi32, #tpu.memory_space<vmem>>)
        tpu.yield
      }) : () -> ()
      %get3A = arith.constant 0 : i32
      %get3A_3 = arith.index_cast %get3A : i32 to index
      %get3A_4 = arith.constant 0 : index
      %get3A_5 = tpu.vector_load %arg8[%get3A_3, %get3A_4] {strides = array<i32>} : memref<1x16xi32, #tpu.memory_space<vmem>>, vector<1x16xi32>,
      %get3A_6 = vector.shape_cast %get3A_5 : vector<1x16xi32> to vector<16xi32>
      %broadcast_in_dim3A = arith.constant 1.000000e+00 : f32
      %broadcast_in_dim3A_7 = vector.broadcast %broadcast_in_dim3A : f32 to vector<16xf32>
      %broadcast_in_dim3A_8 = arith.constant 0.000000e+00 : f32
      %broadcast_in_dim3A_9 = vector.broadcast %broadcast_in_dim3A_8 : f32 to vector<16xf32>
      %broadcast_in_dim3A_10 = arith.constant 0 : i32
      %broadcast_in_dim3A_11 = vector.broadcast %broadcast_in_dim3A_10 : i32 to vector<16xi32>
      %scan3A = arith.constant 0 : i32
      %scan3A_12 = arith.constant 128 : i32
      %scan3A_13 = arith.addi %scan3A, %scan3A_12 : i32
      %scan3A_14 = arith.constant 1 : i32
      %scan3A_15 = scf.for %scan3A_22 = %scan3A to %scan3A_13 step %scan3A_14 iter_args(%scan3A_23 = %broadcast_in_dim3A_11) -> (vector<16xi32>)  : i32 {
        %mul3A_24 = arith.constant 8 : i32
        %mul3A_25 = arith.muli %scan3A_22, %mul3A_24 : i32
        %add3A_26 = arith.constant 0 : i32
        %add3A_27 = arith.addi %mul3A_25, %add3A_26 : i32
        %mul3A_28 = arith.constant 16 : i32
        %mul3A_29 = arith.muli %add3A_27, %mul3A_28 : i32
        %get3A_30 = arith.constant 0 : i32
        %get3A_31 = arith.index_cast %get3A_30 : i32 to index
        %get3A_32 = arith.index_cast %mul3A_29 : i32 to index
        %get3A_33 = tpu.vector_load %arg6[%get3A_31, %get3A_32] {strides = array<i32>} : memref<1x16384xi32, #tpu.memory_space<vmem>>, vector<1x16xi32>,
        %get3A_34 = vector.shape_cast %get3A_33 : vector<1x16xi32> to vector<16xi32>
        %ge3A = arith.cmpi sge, %get3A_34, %get3A_6 : vector<16xi32>
        %select_n3A = arith.select %ge3A, %broadcast_in_dim3A_7, %broadcast_in_dim3A_9 : vector<16xi1>, vector<16xf32>
        %swap3A_35 = arith.constant 0 : i32
        %swap3A_36 = arith.index_cast %swap3A_35 : i32 to index
        %swap3A_37 = arith.index_cast %mul3A_29 : i32 to index
        %swap3A_38 = tpu.vector_load %arg7[%swap3A_36, %swap3A_37] {strides = array<i32>} : memref<1x16384xf32, #tpu.memory_space<vmem>>, vector<1x16xf32>,
        %swap3A_39 = vector.shape_cast %swap3A_38 : vector<1x16xf32> to vector<16xf32>
        %swap3A_40 = vector.shape_cast %select_n3A : vector<16xf32> to vector<1x16xf32>
        tpu.vector_store %arg7[%swap3A_36, %swap3A_37], %swap3A_40 {strides = array<i32>} : memref<1x16384xf32, #tpu.memory_space<vmem>>, vector<1x16xf32>,
        %jit3A = arith.constant 1 : i32
        %jit3A_41 = arith.constant 0 : i32
        %broadcast_in_dim3A_42 = vector.broadcast %jit3A : i32 to vector<16xi32>
        %broadcast_in_dim3A_43 = vector.broadcast %jit3A_41 : i32 to vector<16xi32>
        %select_n3A_44 = arith.select %ge3A, %broadcast_in_dim3A_42, %broadcast_in_dim3A_43 : vector<16xi1>, vector<16xi32>
        %add3A_45 = arith.addi %scan3A_23, %select_n3A_44 : vector<16xi32>
        %mul3A_46 = arith.constant 8 : i32
        %mul3A_47 = arith.muli %scan3A_22, %mul3A_46 : i32
        %add3A_48 = arith.constant 1 : i32
        %add3A_49 = arith.addi %mul3A_47, %add3A_48 : i32
        %mul3A_50 = arith.constant 16 : i32
        %mul3A_51 = arith.muli %add3A_49, %mul3A_50 : i32
        %get3A_52 = arith.constant 0 : i32
        %get3A_53 = arith.index_cast %get3A_52 : i32 to index
        %get3A_54 = arith.index_cast %mul3A_51 : i32 to index
        %get3A_55 = tpu.vector_load %arg6[%get3A_53, %get3A_54] {strides = array<i32>} : memref<1x16384xi32, #tpu.memory_space<vmem>>, vector<1x16xi32>,
        %get3A_56 = vector.shape_cast %get3A_55 : vector<1x16xi32> to vector<16xi32>
        %ge3A_57 = arith.cmpi sge, %get3A_56, %get3A_6 : vector<16xi32>
        %select_n3A_58 = arith.select %ge3A_57, %broadcast_in_dim3A_7, %broadcast_in_dim3A_9 : vector<16xi1>, vector<16xf32>
        %swap3A_59 = arith.constant 0 : i32
        %swap3A_60 = arith.index_cast %swap3A_59 : i32 to index
        %swap3A_61 = arith.index_cast %mul3A_51 : i32 to index
        %swap3A_62 = tpu.vector_load %arg7[%swap3A_60, %swap3A_61] {strides = array<i32>} : memref<1x16384xf32, #tpu.memory_space<vmem>>, vector<1x16xf32>,
        %swap3A_63 = vector.shape_cast %swap3A_62 : vector<1x16xf32> to vector<16xf32>
        %swap3A_64 = vector.shape_cast %select_n3A_58 : vector<16xf32> to vector<1x16xf32>
        tpu.vector_store %arg7[%swap3A_60, %swap3A_61], %swap3A_64 {strides = array<i32>} : memref<1x16384xf32, #tpu.memory_space<vmem>>, vector<1x16xf32>,
        %jit3A_65 = arith.constant 1 : i32
        %jit3A_66 = arith.constant 0 : i32
        %broadcast_in_dim3A_67 = vector.broadcast %jit3A_65 : i32 to vector<16xi32>
        %broadcast_in_dim3A_68 = vector.broadcast %jit3A_66 : i32 to vector<16xi32>
        %select_n3A_69 = arith.select %ge3A_57, %broadcast_in_dim3A_67, %broadcast_in_dim3A_68 : vector<16xi1>, vector<16xi32>
        %add3A_70 = arith.addi %add3A_45, %select_n3A_69 : vector<16xi32>
        %mul3A_71 = arith.constant 8 : i32
        %mul3A_72 = arith.muli %scan3A_22, %mul3A_71 : i32
        %add3A_73 = arith.constant 2 : i32
        %add3A_74 = arith.addi %mul3A_72, %add3A_73 : i32
        %mul3A_75 = arith.constant 16 : i32
        %mul3A_76 = arith.muli %add3A_74, %mul3A_75 : i32
        %get3A_77 = arith.constant 0 : i32
        %get3A_78 = arith.index_cast %get3A_77 : i32 to index
        %get3A_79 = arith.index_cast %mul3A_76 : i32 to index
        %get3A_80 = tpu.vector_load %arg6[%get3A_78, %get3A_79] {strides = array<i32>} : memref<1x16384xi32, #tpu.memory_space<vmem>>, vector<1x16xi32>,
        %get3A_81 = vector.shape_cast %get3A_80 : vector<1x16xi32> to vector<16xi32>
        %ge3A_82 = arith.cmpi sge, %get3A_81, %get3A_6 : vector<16xi32>
        %select_n3A_83 = arith.select %ge3A_82, %broadcast_in_dim3A_7, %broadcast_in_dim3A_9 : vector<16xi1>, vector<16xf32>
        %swap3A_84 = arith.constant 0 : i32
        %swap3A_85 = arith.index_cast %swap3A_84 : i32 to index
        %swap3A_86 = arith.index_cast %mul3A_76 : i32 to index
        %swap3A_87 = tpu.vector_load %arg7[%swap3A_85, %swap3A_86] {strides = array<i32>} : memref<1x16384xf32, #tpu.memory_space<vmem>>, vector<1x16xf32>,
        %swap3A_88 = vector.shape_cast %swap3A_87 : vector<1x16xf32> to vector<16xf32>
        %swap3A_89 = vector.shape_cast %select_n3A_83 : vector<16xf32> to vector<1x16xf32>
        tpu.vector_store %arg7[%swap3A_85, %swap3A_86], %swap3A_89 {strides = array<i32>} : memref<1x16384xf32, #tpu.memory_space<vmem>>, vector<1x16xf32>,
        %jit3A_90 = arith.constant 1 : i32
        %jit3A_91 = arith.constant 0 : i32
        %broadcast_in_dim3A_92 = vector.broadcast %jit3A_90 : i32 to vector<16xi32>
        %broadcast_in_dim3A_93 = vector.broadcast %jit3A_91 : i32 to vector<16xi32>
        %select_n3A_94 = arith.select %ge3A_82, %broadcast_in_dim3A_92, %broadcast_in_dim3A_93 : vector<16xi1>, vector<16xi32>
        %add3A_95 = arith.addi %add3A_70, %select_n3A_94 : vector<16xi32>
        %mul3A_96 = arith.constant 8 : i32
        %mul3A_97 = arith.muli %scan3A_22, %mul3A_96 : i32
        %add3A_98 = arith.constant 3 : i32
        %add3A_99 = arith.addi %mul3A_97, %add3A_98 : i32
        %mul3A_100 = arith.constant 16 : i32
        %mul3A_101 = arith.muli %add3A_99, %mul3A_100 : i32
        %get3A_102 = arith.constant 0 : i32
        %get3A_103 = arith.index_cast %get3A_102 : i32 to index
        %get3A_104 = arith.index_cast %mul3A_101 : i32 to index
        %get3A_105 = tpu.vector_load %arg6[%get3A_103, %get3A_104] {strides = array<i32>} : memref<1x16384xi32, #tpu.memory_space<vmem>>, vector<1x16xi32>,
        %get3A_106 = vector.shape_cast %get3A_105 : vector<1x16xi32> to vector<16xi32>
        %ge3A_107 = arith.cmpi sge, %get3A_106, %get3A_6 : vector<16xi32>
        %select_n3A_108 = arith.select %ge3A_107, %broadcast_in_dim3A_7, %broadcast_in_dim3A_9 : vector<16xi1>, vector<16xf32>
        %swap3A_109 = arith.constant 0 : i32
        %swap3A_110 = arith.index_cast %swap3A_109 : i32 to index
        %swap3A_111 = arith.index_cast %mul3A_101 : i32 to index
        %swap3A_112 = tpu.vector_load %arg7[%swap3A_110, %swap3A_111] {strides = array<i32>} : memref<1x16384xf32, #tpu.memory_space<vmem>>, vector<1x16xf32>,
        %swap3A_113 = vector.shape_cast %swap3A_112 : vector<1x16xf32> to vector<16xf32>
        %swap3A_114 = vector.shape_cast %select_n3A_108 : vector<16xf32> to vector<1x16xf32>
        tpu.vector_store %arg7[%swap3A_110, %swap3A_111], %swap3A_114 {strides = array<i32>} : memref<1x16384xf32, #tpu.memory_space<vmem>>, vector<1x16xf32>,
        %jit3A_115 = arith.constant 1 : i32
        %jit3A_116 = arith.constant 0 : i32
        %broadcast_in_dim3A_117 = vector.broadcast %jit3A_115 : i32 to vector<16xi32>
        %broadcast_in_dim3A_118 = vector.broadcast %jit3A_116 : i32 to vector<16xi32>
        %select_n3A_119 = arith.select %ge3A_107, %broadcast_in_dim3A_117, %broadcast_in_dim3A_118 : vector<16xi1>, vector<16xi32>
        %add3A_120 = arith.addi %add3A_95, %select_n3A_119 : vector<16xi32>
        %mul3A_121 = arith.constant 8 : i32
        %mul3A_122 = arith.muli %scan3A_22, %mul3A_121 : i32
        %add3A_123 = arith.constant 4 : i32
        %add3A_124 = arith.addi %mul3A_122, %add3A_123 : i32
        %mul3A_125 = arith.constant 16 : i32
        %mul3A_126 = arith.muli %add3A_124, %mul3A_125 : i32
        %get3A_127 = arith.constant 0 : i32
        %get3A_128 = arith.index_cast %get3A_127 : i32 to index
        %get3A_129 = arith.index_cast %mul3A_126 : i32 to index
        %get3A_130 = tpu.vector_load %arg6[%get3A_128, %get3A_129] {strides = array<i32>} : memref<1x16384xi32, #tpu.memory_space<vmem>>, vector<1x16xi32>,
        %get3A_131 = vector.shape_cast %get3A_130 : vector<1x16xi32> to vector<16xi32>
        %ge3A_132 = arith.cmpi sge, %get3A_131, %get3A_6 : vector<16xi32>
        %select_n3A_133 = arith.select %ge3A_132, %broadcast_in_dim3A_7, %broadcast_in_dim3A_9 : vector<16xi1>, vector<16xf32>
        %swap3A_134 = arith.constant 0 : i32
        %swap3A_135 = arith.index_cast %swap3A_134 : i32 to index
        %swap3A_136 = arith.index_cast %mul3A_126 : i32 to index
        %swap3A_137 = tpu.vector_load %arg7[%swap3A_135, %swap3A_136] {strides = array<i32>} : memref<1x16384xf32, #tpu.memory_space<vmem>>, vector<1x16xf32>,
        %swap3A_138 = vector.shape_cast %swap3A_137 : vector<1x16xf32> to vector<16xf32>
        %swap3A_139 = vector.shape_cast %select_n3A_133 : vector<16xf32> to vector<1x16xf32>
        tpu.vector_store %arg7[%swap3A_135, %swap3A_136], %swap3A_139 {strides = array<i32>} : memref<1x16384xf32, #tpu.memory_space<vmem>>, vector<1x16xf32>,
        %jit3A_140 = arith.constant 1 : i32
        %jit3A_141 = arith.constant 0 : i32
        %broadcast_in_dim3A_142 = vector.broadcast %jit3A_140 : i32 to vector<16xi32>
        %broadcast_in_dim3A_143 = vector.broadcast %jit3A_141 : i32 to vector<16xi32>
        %select_n3A_144 = arith.select %ge3A_132, %broadcast_in_dim3A_142, %broadcast_in_dim3A_143 : vector<16xi1>, vector<16xi32>
        %add3A_145 = arith.addi %add3A_120, %select_n3A_144 : vector<16xi32>
        %mul3A_146 = arith.constant 8 : i32
        %mul3A_147 = arith.muli %scan3A_22, %mul3A_146 : i32
        %add3A_148 = arith.constant 5 : i32
        %add3A_149 = arith.addi %mul3A_147, %add3A_148 : i32
        %mul3A_150 = arith.constant 16 : i32
        %mul3A_151 = arith.muli %add3A_149, %mul3A_150 : i32
        %get3A_152 = arith.constant 0 : i32
        %get3A_153 = arith.index_cast %get3A_152 : i32 to index
        %get3A_154 = arith.index_cast %mul3A_151 : i32 to index
        %get3A_155 = tpu.vector_load %arg6[%get3A_153, %get3A_154] {strides = array<i32>} : memref<1x16384xi32, #tpu.memory_space<vmem>>, vector<1x16xi32>,
        %get3A_156 = vector.shape_cast %get3A_155 : vector<1x16xi32> to vector<16xi32>
        %ge3A_157 = arith.cmpi sge, %get3A_156, %get3A_6 : vector<16xi32>
        %select_n3A_158 = arith.select %ge3A_157, %broadcast_in_dim3A_7, %broadcast_in_dim3A_9 : vector<16xi1>, vector<16xf32>
        %swap3A_159 = arith.constant 0 : i32
        %swap3A_160 = arith.index_cast %swap3A_159 : i32 to index
        %swap3A_161 = arith.index_cast %mul3A_151 : i32 to index
        %swap3A_162 = tpu.vector_load %arg7[%swap3A_160, %swap3A_161] {strides = array<i32>} : memref<1x16384xf32, #tpu.memory_space<vmem>>, vector<1x16xf32>,
        %swap3A_163 = vector.shape_cast %swap3A_162 : vector<1x16xf32> to vector<16xf32>
        %swap3A_164 = vector.shape_cast %select_n3A_158 : vector<16xf32> to vector<1x16xf32>
        tpu.vector_store %arg7[%swap3A_160, %swap3A_161], %swap3A_164 {strides = array<i32>} : memref<1x16384xf32, #tpu.memory_space<vmem>>, vector<1x16xf32>,
        %jit3A_165 = arith.constant 1 : i32
        %jit3A_166 = arith.constant 0 : i32
        %broadcast_in_dim3A_167 = vector.broadcast %jit3A_165 : i32 to vector<16xi32>
        %broadcast_in_dim3A_168 = vector.broadcast %jit3A_166 : i32 to vector<16xi32>
        %select_n3A_169 = arith.select %ge3A_157, %broadcast_in_dim3A_167, %broadcast_in_dim3A_168 : vector<16xi1>, vector<16xi32>
        %add3A_170 = arith.addi %add3A_145, %select_n3A_169 : vector<16xi32>
        %mul3A_171 = arith.constant 8 : i32
        %mul3A_172 = arith.muli %scan3A_22, %mul3A_171 : i32
        %add3A_173 = arith.constant 6 : i32
        %add3A_174 = arith.addi %mul3A_172, %add3A_173 : i32
        %mul3A_175 = arith.constant 16 : i32
        %mul3A_176 = arith.muli %add3A_174, %mul3A_175 : i32
        %get3A_177 = arith.constant 0 : i32
        %get3A_178 = arith.index_cast %get3A_177 : i32 to index
        %get3A_179 = arith.index_cast %mul3A_176 : i32 to index
        %get3A_180 = tpu.vector_load %arg6[%get3A_178, %get3A_179] {strides = array<i32>} : memref<1x16384xi32, #tpu.memory_space<vmem>>, vector<1x16xi32>,
        %get3A_181 = vector.shape_cast %get3A_180 : vector<1x16xi32> to vector<16xi32>
        %ge3A_182 = arith.cmpi sge, %get3A_181, %get3A_6 : vector<16xi32>
        %select_n3A_183 = arith.select %ge3A_182, %broadcast_in_dim3A_7, %broadcast_in_dim3A_9 : vector<16xi1>, vector<16xf32>
        %swap3A_184 = arith.constant 0 : i32
        %swap3A_185 = arith.index_cast %swap3A_184 : i32 to index
        %swap3A_186 = arith.index_cast %mul3A_176 : i32 to index
        %swap3A_187 = tpu.vector_load %arg7[%swap3A_185, %swap3A_186] {strides = array<i32>} : memref<1x16384xf32, #tpu.memory_space<vmem>>, vector<1x16xf32>,
        %swap3A_188 = vector.shape_cast %swap3A_187 : vector<1x16xf32> to vector<16xf32>
        %swap3A_189 = vector.shape_cast %select_n3A_183 : vector<16xf32> to vector<1x16xf32>
        tpu.vector_store %arg7[%swap3A_185, %swap3A_186], %swap3A_189 {strides = array<i32>} : memref<1x16384xf32, #tpu.memory_space<vmem>>, vector<1x16xf32>,
        %jit3A_190 = arith.constant 1 : i32
        %jit3A_191 = arith.constant 0 : i32
        %broadcast_in_dim3A_192 = vector.broadcast %jit3A_190 : i32 to vector<16xi32>
        %broadcast_in_dim3A_193 = vector.broadcast %jit3A_191 : i32 to vector<16xi32>
        %select_n3A_194 = arith.select %ge3A_182, %broadcast_in_dim3A_192, %broadcast_in_dim3A_193 : vector<16xi1>, vector<16xi32>
        %add3A_195 = arith.addi %add3A_170, %select_n3A_194 : vector<16xi32>
        %mul3A_196 = arith.constant 8 : i32
        %mul3A_197 = arith.muli %scan3A_22, %mul3A_196 : i32
        %add3A_198 = arith.constant 7 : i32
        %add3A_199 = arith.addi %mul3A_197, %add3A_198 : i32
        %mul3A_200 = arith.constant 16 : i32
        %mul3A_201 = arith.muli %add3A_199, %mul3A_200 : i32
        %get3A_202 = arith.constant 0 : i32
        %get3A_203 = arith.index_cast %get3A_202 : i32 to index
        %get3A_204 = arith.index_cast %mul3A_201 : i32 to index
        %get3A_205 = tpu.vector_load %arg6[%get3A_203, %get3A_204] {strides = array<i32>} : memref<1x16384xi32, #tpu.memory_space<vmem>>, vector<1x16xi32>,
        %get3A_206 = vector.shape_cast %get3A_205 : vector<1x16xi32> to vector<16xi32>
        %ge3A_207 = arith.cmpi sge, %get3A_206, %get3A_6 : vector<16xi32>
        %select_n3A_208 = arith.select %ge3A_207, %broadcast_in_dim3A_7, %broadcast_in_dim3A_9 : vector<16xi1>, vector<16xf32>
        %swap3A_209 = arith.constant 0 : i32
        %swap3A_210 = arith.index_cast %swap3A_209 : i32 to index
        %swap3A_211 = arith.index_cast %mul3A_201 : i32 to index
        %swap3A_212 = tpu.vector_load %arg7[%swap3A_210, %swap3A_211] {strides = array<i32>} : memref<1x16384xf32, #tpu.memory_space<vmem>>, vector<1x16xf32>,
        %swap3A_213 = vector.shape_cast %swap3A_212 : vector<1x16xf32> to vector<16xf32>
        %swap3A_214 = vector.shape_cast %select_n3A_208 : vector<16xf32> to vector<1x16xf32>
        tpu.vector_store %arg7[%swap3A_210, %swap3A_211], %swap3A_214 {strides = array<i32>} : memref<1x16384xf32, #tpu.memory_space<vmem>>, vector<1x16xf32>,
        %jit3A_215 = arith.constant 1 : i32
        %jit3A_216 = arith.constant 0 : i32
        %broadcast_in_dim3A_217 = vector.broadcast %jit3A_215 : i32 to vector<16xi32>
        %broadcast_in_dim3A_218 = vector.broadcast %jit3A_216 : i32 to vector<16xi32>
        %select_n3A_219 = arith.select %ge3A_207, %broadcast_in_dim3A_217, %broadcast_in_dim3A_218 : vector<16xi1>, vector<16xi32>
        %add3A_220 = arith.addi %add3A_195, %select_n3A_219 : vector<16xi32>
        scf.yield %add3A_220 : vector<16xi32>
      }
      %scan3A_16 = arith.constant 128 : i32
      %swap3A = arith.constant 0 : i32
      %swap3A_17 = arith.index_cast %swap3A : i32 to index
      %swap3A_18 = arith.constant 0 : index
      %swap3A_19 = tpu.vector_load %arg9[%swap3A_17, %swap3A_18] {strides = array<i32>} : memref<1x16xi32, #tpu.memory_space<vmem>>, vector<1x16xi32>,
      %swap3A_20 = vector.shape_cast %swap3A_19 : vector<1x16xi32> to vector<16xi32>
      %swap3A_21 = vector.shape_cast %scan3A_15 : vector<16xi32> to vector<1x16xi32>
      tpu.vector_store %arg9[%swap3A_17, %swap3A_18], %swap3A_21 {strides = array<i32>} : memref<1x16xi32, #tpu.memory_space<vmem>>, vector<1x16xi32>,
      "tpu.region"() ({
        %run_scoped3A = tpu.sem_alloc : memref<!tpu.dma_semaphore, #tpu.memory_space<semaphore_mem>>
        %dma_start3A = arith.constant 0 : i32
        %dma_start3A_22 = tpu.memref_slice %arg4[%add3A, %dma_start3A] : memref<32x16384xf32, #tpu.memory_space<hbm>> -> memref<1x16384xf32, #tpu.memory_space<hbm>>
        %dma_start3A_23 = arith.constant 0 : i32
        %dma_start3A_24 = tpu.memref_slice %arg4[%add3A, %dma_start3A_23] : memref<32x16384xf32, #tpu.memory_space<hbm>> -> memref<1x16384xf32, #tpu.memory_space<hbm>>
        tpu.enqueue_dma source(%arg7 : memref<1x16384xf32, #tpu.memory_space<vmem>>) target(%dma_start3A_24 : memref<1x16384xf32, #tpu.memory_space<hbm>>) target_semaphore(%run_scoped3A : memref<!tpu.dma_semaphore, #tpu.memory_space<semaphore_mem>>)
        %dma_wait3A = arith.constant 0 : i32
        %dma_wait3A_25 = tpu.memref_slice %arg4[%add3A, %dma_wait3A] : memref<32x16384xf32, #tpu.memory_space<hbm>> -> memref<1x16384xf32, #tpu.memory_space<hbm>>
        %dma_wait3A_26 = arith.constant 0 : i32
        %dma_wait3A_27 = tpu.memref_slice %arg4[%add3A, %dma_wait3A_26] : memref<32x16384xf32, #tpu.memory_space<hbm>> -> memref<1x16384xf32, #tpu.memory_space<hbm>>
        tpu.wait_dma2 semaphore(%run_scoped3A : memref<!tpu.dma_semaphore, #tpu.memory_space<semaphore_mem>>) src(%arg7 : memref<1x16384xf32, #tpu.memory_space<vmem>>) dst(%dma_wait3A_27 : memref<1x16384xf32, #tpu.memory_space<hbm>>)
        tpu.yield
      }) : () -> ()
      "tpu.region"() ({
        %run_scoped3A = tpu.sem_alloc : memref<!tpu.dma_semaphore, #tpu.memory_space<semaphore_mem>>
        %dma_start3A = arith.constant 0 : i32
        %dma_start3A_22 = tpu.memref_slice %arg5[%add3A, %dma_start3A] : memref<32x16xi32, #tpu.memory_space<hbm>> -> memref<1x16xi32, #tpu.memory_space<hbm>>
        %dma_start3A_23 = arith.constant 0 : i32
        %dma_start3A_24 = tpu.memref_slice %arg5[%add3A, %dma_start3A_23] : memref<32x16xi32, #tpu.memory_space<hbm>> -> memref<1x16xi32, #tpu.memory_space<hbm>>
        tpu.enqueue_dma source(%arg9 : memref<1x16xi32, #tpu.memory_space<vmem>>) target(%dma_start3A_24 : memref<1x16xi32, #tpu.memory_space<hbm>>) target_semaphore(%run_scoped3A : memref<!tpu.dma_semaphore, #tpu.memory_space<semaphore_mem>>)
        %dma_wait3A = arith.constant 0 : i32
        %dma_wait3A_25 = tpu.memref_slice %arg5[%add3A, %dma_wait3A] : memref<32x16xi32, #tpu.memory_space<hbm>> -> memref<1x16xi32, #tpu.memory_space<hbm>>
        %dma_wait3A_26 = arith.constant 0 : i32
        %dma_wait3A_27 = tpu.memref_slice %arg5[%add3A, %dma_wait3A_26] : memref<32x16xi32, #tpu.memory_space<hbm>> -> memref<1x16xi32, #tpu.memory_space<hbm>>
        tpu.wait_dma2 semaphore(%run_scoped3A : memref<!tpu.dma_semaphore, #tpu.memory_space<semaphore_mem>>) src(%arg9 : memref<1x16xi32, #tpu.memory_space<vmem>>) dst(%dma_wait3A_27 : memref<1x16xi32, #tpu.memory_space<hbm>>)
        tpu.yield
      }) : () -> ()
    } else {
    }
    return
  }
}

module attributes {stable_mosaic.version = 14 : i64} {
  func.func @_tc_body(%arg0: i32, %arg1: memref<5x260x256xbf16, #tpu.memory_space<vmem>>, %arg2: memref<1x5x2x128x256xf32, #tpu.memory_space<vmem>>, %arg3: memref<1x5x1x128x256xf32, #tpu.memory_space<vmem>>, %arg4: memref<1x4x128x256xi32, #tpu.memory_space<vmem>>, %arg5: memref<1x4x16xi32, #tpu.memory_space<vmem>>, %arg6: memref<4x132x260xbf16, #tpu.memory_space<vmem>>, %arg7: memref<4x128x256xf32, #tpu.memory_space<vmem>>) attributes {dimension_semantics = [#tpu.dimension_semantics<arbitrary>], iteration_bounds = array<i64: 4>, scalar_prefetch = 0 : i64, scratch_operands = 2 : i64, tpu.core_type = #tpu.core_type<tc>, window_params = [{pipeline_mode = #tpu.pipeline_mode<synchronous>, transform_indices = @transform_0, window_bounds = array<i64: 5, 260, 256>}, {transform_indices = @transform_1, window_bounds = array<i64: 1, 5, 2, 128, 256>}, {transform_indices = @transform_2, window_bounds = array<i64: 1, 5, 1, 128, 256>}, {transform_indices = @transform_3, window_bounds = array<i64: 1, 4, 128, 256>}, {transform_indices = @transform_4, window_bounds = array<i64: 1, 4, 16>}]} {
    %get3A = arith.constant 0 : index
    %get3A_0 = arith.constant 1 : index
    %get3A_1 = arith.constant 0 : index
    %get3A_2 = arith.constant 0 : index
    %get3A_3 = arith.constant 0 : index
    %get3A_4 = vector.load %arg2[%get3A, %get3A_0, %get3A_1, %get3A_2, %get3A_3] : memref<1x5x2x128x256xf32, #tpu.memory_space<vmem>>, vector<1x4x1x128x256xf32>
    %get3A_5 = vector.shape_cast %get3A_4 : vector<1x4x1x128x256xf32> to vector<4x128x256xf32>
    %get3A_6 = arith.constant 0 : index
    %get3A_7 = arith.constant 1 : index
    %get3A_8 = arith.constant 1 : index
    %get3A_9 = arith.constant 0 : index
    %get3A_10 = arith.constant 0 : index
    %get3A_11 = vector.load %arg2[%get3A_6, %get3A_7, %get3A_8, %get3A_9, %get3A_10] : memref<1x5x2x128x256xf32, #tpu.memory_space<vmem>>, vector<1x4x1x128x256xf32>
    %get3A_12 = vector.shape_cast %get3A_11 : vector<1x4x1x128x256xf32> to vector<4x128x256xf32>
    %max3A = arith.maximumf %get3A_5, %get3A_12 : vector<4x128x256xf32>
    %logistic3A = arith.negf %max3A : vector<4x128x256xf32>
    %logistic3A_13 = math.exp %logistic3A : vector<4x128x256xf32>
    %logistic3A_14 = arith.constant 1.000000e+00 : f32
    %logistic3A_15 = vector.broadcast %logistic3A_14 : f32 to vector<4x128x256xf32>
    %logistic3A_16 = arith.addf %logistic3A_15, %logistic3A_13 : vector<4x128x256xf32>
    %logistic3A_17 = arith.divf %logistic3A_15, %logistic3A_16 : vector<4x128x256xf32>
    %get3A_18 = arith.constant 0 : index
    %get3A_19 = arith.constant 1 : index
    %get3A_20 = arith.constant 0 : index
    %get3A_21 = arith.constant 0 : index
    %get3A_22 = arith.constant 0 : index
    %get3A_23 = vector.load %arg3[%get3A_18, %get3A_19, %get3A_20, %get3A_21, %get3A_22] : memref<1x5x1x128x256xf32, #tpu.memory_space<vmem>>, vector<1x4x1x128x256xf32>
    %get3A_24 = vector.shape_cast %get3A_23 : vector<1x4x1x128x256xf32> to vector<4x128x256xf32>
    %mul3A = arith.mulf %logistic3A_17, %get3A_24 : vector<4x128x256xf32>
    %broadcast_in_dim3A = arith.constant 0.000000e+00 : bf16
    %broadcast_in_dim3A_25 = vector.broadcast %broadcast_in_dim3A : bf16 to vector<4x132x260xbf16>
    %swap3A = arith.constant 0 : index
    %swap3A_26 = arith.constant 0 : index
    %swap3A_27 = arith.constant 0 : index
    %swap3A_28 = vector.load %arg6[%swap3A, %swap3A_26, %swap3A_27] : memref<4x132x260xbf16, #tpu.memory_space<vmem>>, vector<4x132x260xbf16>
    tpu.vector_store %arg6[%swap3A, %swap3A_26, %swap3A_27], %broadcast_in_dim3A_25 {strides = array<i32>} : memref<4x132x260xbf16, #tpu.memory_space<vmem>>, vector<4x132x260xbf16>,
    %convert_element_type3A = arith.truncf %mul3A : vector<4x128x256xf32> to vector<4x128x256xbf16>
    %swap3A_29 = arith.constant 0 : index
    %swap3A_30 = arith.constant 2 : index
    %swap3A_31 = arith.constant 2 : index
    %swap3A_32 = vector.load %arg6[%swap3A_29, %swap3A_30, %swap3A_31] : memref<4x132x260xbf16, #tpu.memory_space<vmem>>, vector<4x128x256xbf16>
    tpu.vector_store %arg6[%swap3A_29, %swap3A_30, %swap3A_31], %convert_element_type3A {strides = array<i32>} : memref<4x132x260xbf16, #tpu.memory_space<vmem>>, vector<4x128x256xbf16>,
    %broadcast_in_dim3A_33 = arith.constant 0.000000e+00 : f32
    %broadcast_in_dim3A_34 = vector.broadcast %broadcast_in_dim3A_33 : f32 to vector<128x256xf32>
    %get3A_35 = arith.constant 0 : index
    %get3A_36 = arith.constant 0 : index
    %get3A_37 = arith.constant 0 : index
    %get3A_38 = vector.load %arg6[%get3A_35, %get3A_36, %get3A_37] : memref<4x132x260xbf16, #tpu.memory_space<vmem>>, vector<1x128x260xbf16>
    %get3A_39 = vector.shape_cast %get3A_38 : vector<1x128x260xbf16> to vector<128x260xbf16>
    %get3A_40 = arith.constant 0 : index
    %get3A_41 = arith.constant 0 : index
    %get3A_42 = arith.constant 0 : index
    %get3A_43 = vector.load %arg1[%get3A_40, %get3A_41, %get3A_42] : memref<5x260x256xbf16, #tpu.memory_space<vmem>>, vector<1x260x256xbf16>
    %get3A_44 = vector.shape_cast %get3A_43 : vector<1x260x256xbf16> to vector<260x256xbf16>
    %dot_general3A = arith.constant dense<0.000000e+00> : vector<128x256xf32>
    %dot_general3A_45 = tpu.matmul %get3A_39, %get3A_44, %dot_general3A {dimension_numbers = #tpu.dot_dimension_numbers<[1], [0], [0], [1], [0, 0, 1, 1], [], []>, transpose_lhs_hint = false} : vector<128x260xbf16>, vector<260x256xbf16>, vector<128x256xf32> -> vector<128x256xf32>
    %add3A = arith.addf %broadcast_in_dim3A_34, %dot_general3A_45 : vector<128x256xf32>
    %get3A_46 = arith.constant 0 : index
    %get3A_47 = arith.constant 1 : index
    %get3A_48 = arith.constant 0 : index
    %get3A_49 = vector.load %arg6[%get3A_46, %get3A_47, %get3A_48] : memref<4x132x260xbf16, #tpu.memory_space<vmem>>, vector<1x128x260xbf16>
    %get3A_50 = vector.shape_cast %get3A_49 : vector<1x128x260xbf16> to vector<128x260xbf16>
    %get3A_51 = arith.constant 1 : index
    %get3A_52 = arith.constant 0 : index
    %get3A_53 = arith.constant 0 : index
    %get3A_54 = vector.load %arg1[%get3A_51, %get3A_52, %get3A_53] : memref<5x260x256xbf16, #tpu.memory_space<vmem>>, vector<1x260x256xbf16>
    %get3A_55 = vector.shape_cast %get3A_54 : vector<1x260x256xbf16> to vector<260x256xbf16>
    %dot_general3A_56 = arith.constant dense<0.000000e+00> : vector<128x256xf32>
    %dot_general3A_57 = tpu.matmul %get3A_50, %get3A_55, %dot_general3A_56 {dimension_numbers = #tpu.dot_dimension_numbers<[1], [0], [0], [1], [0, 0, 1, 1], [], []>, transpose_lhs_hint = false} : vector<128x260xbf16>, vector<260x256xbf16>, vector<128x256xf32> -> vector<128x256xf32>
    %add3A_58 = arith.addf %add3A, %dot_general3A_57 : vector<128x256xf32>
    %get3A_59 = arith.constant 0 : index
    %get3A_60 = arith.constant 2 : index
    %get3A_61 = arith.constant 0 : index
    %get3A_62 = vector.load %arg6[%get3A_59, %get3A_60, %get3A_61] : memref<4x132x260xbf16, #tpu.memory_space<vmem>>, vector<1x128x260xbf16>
    %get3A_63 = vector.shape_cast %get3A_62 : vector<1x128x260xbf16> to vector<128x260xbf16>
    %get3A_64 = arith.constant 2 : index
    %get3A_65 = arith.constant 0 : index
    %get3A_66 = arith.constant 0 : index
    %get3A_67 = vector.load %arg1[%get3A_64, %get3A_65, %get3A_66] : memref<5x260x256xbf16, #tpu.memory_space<vmem>>, vector<1x260x256xbf16>
    %get3A_68 = vector.shape_cast %get3A_67 : vector<1x260x256xbf16> to vector<260x256xbf16>
    %dot_general3A_69 = arith.constant dense<0.000000e+00> : vector<128x256xf32>
    %dot_general3A_70 = tpu.matmul %get3A_63, %get3A_68, %dot_general3A_69 {dimension_numbers = #tpu.dot_dimension_numbers<[1], [0], [0], [1], [0, 0, 1, 1], [], []>, transpose_lhs_hint = false} : vector<128x260xbf16>, vector<260x256xbf16>, vector<128x256xf32> -> vector<128x256xf32>
    %add3A_71 = arith.addf %add3A_58, %dot_general3A_70 : vector<128x256xf32>
    %get3A_72 = arith.constant 0 : index
    %get3A_73 = arith.constant 3 : index
    %get3A_74 = arith.constant 0 : index
    %get3A_75 = vector.load %arg6[%get3A_72, %get3A_73, %get3A_74] : memref<4x132x260xbf16, #tpu.memory_space<vmem>>, vector<1x128x260xbf16>
    %get3A_76 = vector.shape_cast %get3A_75 : vector<1x128x260xbf16> to vector<128x260xbf16>
    %get3A_77 = arith.constant 3 : index
    %get3A_78 = arith.constant 0 : index
    %get3A_79 = arith.constant 0 : index
    %get3A_80 = vector.load %arg1[%get3A_77, %get3A_78, %get3A_79] : memref<5x260x256xbf16, #tpu.memory_space<vmem>>, vector<1x260x256xbf16>
    %get3A_81 = vector.shape_cast %get3A_80 : vector<1x260x256xbf16> to vector<260x256xbf16>
    %dot_general3A_82 = arith.constant dense<0.000000e+00> : vector<128x256xf32>
    %dot_general3A_83 = tpu.matmul %get3A_76, %get3A_81, %dot_general3A_82 {dimension_numbers = #tpu.dot_dimension_numbers<[1], [0], [0], [1], [0, 0, 1, 1], [], []>, transpose_lhs_hint = false} : vector<128x260xbf16>, vector<260x256xbf16>, vector<128x256xf32> -> vector<128x256xf32>
    %add3A_84 = arith.addf %add3A_71, %dot_general3A_83 : vector<128x256xf32>
    %get3A_85 = arith.constant 0 : index
    %get3A_86 = arith.constant 4 : index
    %get3A_87 = arith.constant 0 : index
    %get3A_88 = vector.load %arg6[%get3A_85, %get3A_86, %get3A_87] : memref<4x132x260xbf16, #tpu.memory_space<vmem>>, vector<1x128x260xbf16>
    %get3A_89 = vector.shape_cast %get3A_88 : vector<1x128x260xbf16> to vector<128x260xbf16>
    %get3A_90 = arith.constant 4 : index
    %get3A_91 = arith.constant 0 : index
    %get3A_92 = arith.constant 0 : index
    %get3A_93 = vector.load %arg1[%get3A_90, %get3A_91, %get3A_92] : memref<5x260x256xbf16, #tpu.memory_space<vmem>>, vector<1x260x256xbf16>
    %get3A_94 = vector.shape_cast %get3A_93 : vector<1x260x256xbf16> to vector<260x256xbf16>
    %dot_general3A_95 = arith.constant dense<0.000000e+00> : vector<128x256xf32>
    %dot_general3A_96 = tpu.matmul %get3A_89, %get3A_94, %dot_general3A_95 {dimension_numbers = #tpu.dot_dimension_numbers<[1], [0], [0], [1], [0, 0, 1, 1], [], []>, transpose_lhs_hint = false} : vector<128x260xbf16>, vector<260x256xbf16>, vector<128x256xf32> -> vector<128x256xf32>
    %add3A_97 = arith.addf %add3A_84, %dot_general3A_96 : vector<128x256xf32>
    %swap3A_98 = arith.constant 0 : index
    %swap3A_99 = arith.constant 0 : index
    %swap3A_100 = arith.constant 0 : index
    %swap3A_101 = vector.load %arg7[%swap3A_98, %swap3A_99, %swap3A_100] : memref<4x128x256xf32, #tpu.memory_space<vmem>>, vector<1x128x256xf32>
    %swap3A_102 = vector.shape_cast %swap3A_101 : vector<1x128x256xf32> to vector<128x256xf32>
    %swap3A_103 = vector.shape_cast %add3A_97 : vector<128x256xf32> to vector<1x128x256xf32>
    tpu.vector_store %arg7[%swap3A_98, %swap3A_99, %swap3A_100], %swap3A_103 {strides = array<i32>} : memref<4x128x256xf32, #tpu.memory_space<vmem>>, vector<1x128x256xf32>,
    %broadcast_in_dim3A_104 = arith.constant 0.000000e+00 : f32
    %broadcast_in_dim3A_105 = vector.broadcast %broadcast_in_dim3A_104 : f32 to vector<128x256xf32>
    %get3A_106 = arith.constant 1 : index
    %get3A_107 = arith.constant 0 : index
    %get3A_108 = arith.constant 0 : index
    %get3A_109 = vector.load %arg6[%get3A_106, %get3A_107, %get3A_108] : memref<4x132x260xbf16, #tpu.memory_space<vmem>>, vector<1x128x260xbf16>
    %get3A_110 = vector.shape_cast %get3A_109 : vector<1x128x260xbf16> to vector<128x260xbf16>
    %get3A_111 = arith.constant 0 : index
    %get3A_112 = arith.constant 0 : index
    %get3A_113 = arith.constant 0 : index
    %get3A_114 = vector.load %arg1[%get3A_111, %get3A_112, %get3A_113] : memref<5x260x256xbf16, #tpu.memory_space<vmem>>, vector<1x260x256xbf16>
    %get3A_115 = vector.shape_cast %get3A_114 : vector<1x260x256xbf16> to vector<260x256xbf16>
    %dot_general3A_116 = arith.constant dense<0.000000e+00> : vector<128x256xf32>
    %dot_general3A_117 = tpu.matmul %get3A_110, %get3A_115, %dot_general3A_116 {dimension_numbers = #tpu.dot_dimension_numbers<[1], [0], [0], [1], [0, 0, 1, 1], [], []>, transpose_lhs_hint = false} : vector<128x260xbf16>, vector<260x256xbf16>, vector<128x256xf32> -> vector<128x256xf32>
    %add3A_118 = arith.addf %broadcast_in_dim3A_105, %dot_general3A_117 : vector<128x256xf32>
    %get3A_119 = arith.constant 1 : index
    %get3A_120 = arith.constant 1 : index
    %get3A_121 = arith.constant 0 : index
    %get3A_122 = vector.load %arg6[%get3A_119, %get3A_120, %get3A_121] : memref<4x132x260xbf16, #tpu.memory_space<vmem>>, vector<1x128x260xbf16>
    %get3A_123 = vector.shape_cast %get3A_122 : vector<1x128x260xbf16> to vector<128x260xbf16>
    %get3A_124 = arith.constant 1 : index
    %get3A_125 = arith.constant 0 : index
    %get3A_126 = arith.constant 0 : index
    %get3A_127 = vector.load %arg1[%get3A_124, %get3A_125, %get3A_126] : memref<5x260x256xbf16, #tpu.memory_space<vmem>>, vector<1x260x256xbf16>
    %get3A_128 = vector.shape_cast %get3A_127 : vector<1x260x256xbf16> to vector<260x256xbf16>
    %dot_general3A_129 = arith.constant dense<0.000000e+00> : vector<128x256xf32>
    %dot_general3A_130 = tpu.matmul %get3A_123, %get3A_128, %dot_general3A_129 {dimension_numbers = #tpu.dot_dimension_numbers<[1], [0], [0], [1], [0, 0, 1, 1], [], []>, transpose_lhs_hint = false} : vector<128x260xbf16>, vector<260x256xbf16>, vector<128x256xf32> -> vector<128x256xf32>
    %add3A_131 = arith.addf %add3A_118, %dot_general3A_130 : vector<128x256xf32>
    %get3A_132 = arith.constant 1 : index
    %get3A_133 = arith.constant 2 : index
    %get3A_134 = arith.constant 0 : index
    %get3A_135 = vector.load %arg6[%get3A_132, %get3A_133, %get3A_134] : memref<4x132x260xbf16, #tpu.memory_space<vmem>>, vector<1x128x260xbf16>
    %get3A_136 = vector.shape_cast %get3A_135 : vector<1x128x260xbf16> to vector<128x260xbf16>
    %get3A_137 = arith.constant 2 : index
    %get3A_138 = arith.constant 0 : index
    %get3A_139 = arith.constant 0 : index
    %get3A_140 = vector.load %arg1[%get3A_137, %get3A_138, %get3A_139] : memref<5x260x256xbf16, #tpu.memory_space<vmem>>, vector<1x260x256xbf16>
    %get3A_141 = vector.shape_cast %get3A_140 : vector<1x260x256xbf16> to vector<260x256xbf16>
    %dot_general3A_142 = arith.constant dense<0.000000e+00> : vector<128x256xf32>
    %dot_general3A_143 = tpu.matmul %get3A_136, %get3A_141, %dot_general3A_142 {dimension_numbers = #tpu.dot_dimension_numbers<[1], [0], [0], [1], [0, 0, 1, 1], [], []>, transpose_lhs_hint = false} : vector<128x260xbf16>, vector<260x256xbf16>, vector<128x256xf32> -> vector<128x256xf32>
    %add3A_144 = arith.addf %add3A_131, %dot_general3A_143 : vector<128x256xf32>
    %get3A_145 = arith.constant 1 : index
    %get3A_146 = arith.constant 3 : index
    %get3A_147 = arith.constant 0 : index
    %get3A_148 = vector.load %arg6[%get3A_145, %get3A_146, %get3A_147] : memref<4x132x260xbf16, #tpu.memory_space<vmem>>, vector<1x128x260xbf16>
    %get3A_149 = vector.shape_cast %get3A_148 : vector<1x128x260xbf16> to vector<128x260xbf16>
    %get3A_150 = arith.constant 3 : index
    %get3A_151 = arith.constant 0 : index
    %get3A_152 = arith.constant 0 : index
    %get3A_153 = vector.load %arg1[%get3A_150, %get3A_151, %get3A_152] : memref<5x260x256xbf16, #tpu.memory_space<vmem>>, vector<1x260x256xbf16>
    %get3A_154 = vector.shape_cast %get3A_153 : vector<1x260x256xbf16> to vector<260x256xbf16>
    %dot_general3A_155 = arith.constant dense<0.000000e+00> : vector<128x256xf32>
    %dot_general3A_156 = tpu.matmul %get3A_149, %get3A_154, %dot_general3A_155 {dimension_numbers = #tpu.dot_dimension_numbers<[1], [0], [0], [1], [0, 0, 1, 1], [], []>, transpose_lhs_hint = false} : vector<128x260xbf16>, vector<260x256xbf16>, vector<128x256xf32> -> vector<128x256xf32>
    %add3A_157 = arith.addf %add3A_144, %dot_general3A_156 : vector<128x256xf32>
    %get3A_158 = arith.constant 1 : index
    %get3A_159 = arith.constant 4 : index
    %get3A_160 = arith.constant 0 : index
    %get3A_161 = vector.load %arg6[%get3A_158, %get3A_159, %get3A_160] : memref<4x132x260xbf16, #tpu.memory_space<vmem>>, vector<1x128x260xbf16>
    %get3A_162 = vector.shape_cast %get3A_161 : vector<1x128x260xbf16> to vector<128x260xbf16>
    %get3A_163 = arith.constant 4 : index
    %get3A_164 = arith.constant 0 : index
    %get3A_165 = arith.constant 0 : index
    %get3A_166 = vector.load %arg1[%get3A_163, %get3A_164, %get3A_165] : memref<5x260x256xbf16, #tpu.memory_space<vmem>>, vector<1x260x256xbf16>
    %get3A_167 = vector.shape_cast %get3A_166 : vector<1x260x256xbf16> to vector<260x256xbf16>
    %dot_general3A_168 = arith.constant dense<0.000000e+00> : vector<128x256xf32>
    %dot_general3A_169 = tpu.matmul %get3A_162, %get3A_167, %dot_general3A_168 {dimension_numbers = #tpu.dot_dimension_numbers<[1], [0], [0], [1], [0, 0, 1, 1], [], []>, transpose_lhs_hint = false} : vector<128x260xbf16>, vector<260x256xbf16>, vector<128x256xf32> -> vector<128x256xf32>
    %add3A_170 = arith.addf %add3A_157, %dot_general3A_169 : vector<128x256xf32>
    %swap3A_171 = arith.constant 1 : index
    %swap3A_172 = arith.constant 0 : index
    %swap3A_173 = arith.constant 0 : index
    %swap3A_174 = vector.load %arg7[%swap3A_171, %swap3A_172, %swap3A_173] : memref<4x128x256xf32, #tpu.memory_space<vmem>>, vector<1x128x256xf32>
    %swap3A_175 = vector.shape_cast %swap3A_174 : vector<1x128x256xf32> to vector<128x256xf32>
    %swap3A_176 = vector.shape_cast %add3A_170 : vector<128x256xf32> to vector<1x128x256xf32>
    tpu.vector_store %arg7[%swap3A_171, %swap3A_172, %swap3A_173], %swap3A_176 {strides = array<i32>} : memref<4x128x256xf32, #tpu.memory_space<vmem>>, vector<1x128x256xf32>,
    %broadcast_in_dim3A_177 = arith.constant 0.000000e+00 : f32
    %broadcast_in_dim3A_178 = vector.broadcast %broadcast_in_dim3A_177 : f32 to vector<128x256xf32>
    %get3A_179 = arith.constant 2 : index
    %get3A_180 = arith.constant 0 : index
    %get3A_181 = arith.constant 0 : index
    %get3A_182 = vector.load %arg6[%get3A_179, %get3A_180, %get3A_181] : memref<4x132x260xbf16, #tpu.memory_space<vmem>>, vector<1x128x260xbf16>
    %get3A_183 = vector.shape_cast %get3A_182 : vector<1x128x260xbf16> to vector<128x260xbf16>
    %get3A_184 = arith.constant 0 : index
    %get3A_185 = arith.constant 0 : index
    %get3A_186 = arith.constant 0 : index
    %get3A_187 = vector.load %arg1[%get3A_184, %get3A_185, %get3A_186] : memref<5x260x256xbf16, #tpu.memory_space<vmem>>, vector<1x260x256xbf16>
    %get3A_188 = vector.shape_cast %get3A_187 : vector<1x260x256xbf16> to vector<260x256xbf16>
    %dot_general3A_189 = arith.constant dense<0.000000e+00> : vector<128x256xf32>
    %dot_general3A_190 = tpu.matmul %get3A_183, %get3A_188, %dot_general3A_189 {dimension_numbers = #tpu.dot_dimension_numbers<[1], [0], [0], [1], [0, 0, 1, 1], [], []>, transpose_lhs_hint = false} : vector<128x260xbf16>, vector<260x256xbf16>, vector<128x256xf32> -> vector<128x256xf32>
    %add3A_191 = arith.addf %broadcast_in_dim3A_178, %dot_general3A_190 : vector<128x256xf32>
    %get3A_192 = arith.constant 2 : index
    %get3A_193 = arith.constant 1 : index
    %get3A_194 = arith.constant 0 : index
    %get3A_195 = vector.load %arg6[%get3A_192, %get3A_193, %get3A_194] : memref<4x132x260xbf16, #tpu.memory_space<vmem>>, vector<1x128x260xbf16>
    %get3A_196 = vector.shape_cast %get3A_195 : vector<1x128x260xbf16> to vector<128x260xbf16>
    %get3A_197 = arith.constant 1 : index
    %get3A_198 = arith.constant 0 : index
    %get3A_199 = arith.constant 0 : index
    %get3A_200 = vector.load %arg1[%get3A_197, %get3A_198, %get3A_199] : memref<5x260x256xbf16, #tpu.memory_space<vmem>>, vector<1x260x256xbf16>
    %get3A_201 = vector.shape_cast %get3A_200 : vector<1x260x256xbf16> to vector<260x256xbf16>
    %dot_general3A_202 = arith.constant dense<0.000000e+00> : vector<128x256xf32>
    %dot_general3A_203 = tpu.matmul %get3A_196, %get3A_201, %dot_general3A_202 {dimension_numbers = #tpu.dot_dimension_numbers<[1], [0], [0], [1], [0, 0, 1, 1], [], []>, transpose_lhs_hint = false} : vector<128x260xbf16>, vector<260x256xbf16>, vector<128x256xf32> -> vector<128x256xf32>
    %add3A_204 = arith.addf %add3A_191, %dot_general3A_203 : vector<128x256xf32>
    %get3A_205 = arith.constant 2 : index
    %get3A_206 = arith.constant 2 : index
    %get3A_207 = arith.constant 0 : index
    %get3A_208 = vector.load %arg6[%get3A_205, %get3A_206, %get3A_207] : memref<4x132x260xbf16, #tpu.memory_space<vmem>>, vector<1x128x260xbf16>
    %get3A_209 = vector.shape_cast %get3A_208 : vector<1x128x260xbf16> to vector<128x260xbf16>
    %get3A_210 = arith.constant 2 : index
    %get3A_211 = arith.constant 0 : index
    %get3A_212 = arith.constant 0 : index
    %get3A_213 = vector.load %arg1[%get3A_210, %get3A_211, %get3A_212] : memref<5x260x256xbf16, #tpu.memory_space<vmem>>, vector<1x260x256xbf16>
    %get3A_214 = vector.shape_cast %get3A_213 : vector<1x260x256xbf16> to vector<260x256xbf16>
    %dot_general3A_215 = arith.constant dense<0.000000e+00> : vector<128x256xf32>
    %dot_general3A_216 = tpu.matmul %get3A_209, %get3A_214, %dot_general3A_215 {dimension_numbers = #tpu.dot_dimension_numbers<[1], [0], [0], [1], [0, 0, 1, 1], [], []>, transpose_lhs_hint = false} : vector<128x260xbf16>, vector<260x256xbf16>, vector<128x256xf32> -> vector<128x256xf32>
    %add3A_217 = arith.addf %add3A_204, %dot_general3A_216 : vector<128x256xf32>
    %get3A_218 = arith.constant 2 : index
    %get3A_219 = arith.constant 3 : index
    %get3A_220 = arith.constant 0 : index
    %get3A_221 = vector.load %arg6[%get3A_218, %get3A_219, %get3A_220] : memref<4x132x260xbf16, #tpu.memory_space<vmem>>, vector<1x128x260xbf16>
    %get3A_222 = vector.shape_cast %get3A_221 : vector<1x128x260xbf16> to vector<128x260xbf16>
    %get3A_223 = arith.constant 3 : index
    %get3A_224 = arith.constant 0 : index
    %get3A_225 = arith.constant 0 : index
    %get3A_226 = vector.load %arg1[%get3A_223, %get3A_224, %get3A_225] : memref<5x260x256xbf16, #tpu.memory_space<vmem>>, vector<1x260x256xbf16>
    %get3A_227 = vector.shape_cast %get3A_226 : vector<1x260x256xbf16> to vector<260x256xbf16>
    %dot_general3A_228 = arith.constant dense<0.000000e+00> : vector<128x256xf32>
    %dot_general3A_229 = tpu.matmul %get3A_222, %get3A_227, %dot_general3A_228 {dimension_numbers = #tpu.dot_dimension_numbers<[1], [0], [0], [1], [0, 0, 1, 1], [], []>, transpose_lhs_hint = false} : vector<128x260xbf16>, vector<260x256xbf16>, vector<128x256xf32> -> vector<128x256xf32>
    %add3A_230 = arith.addf %add3A_217, %dot_general3A_229 : vector<128x256xf32>
    %get3A_231 = arith.constant 2 : index
    %get3A_232 = arith.constant 4 : index
    %get3A_233 = arith.constant 0 : index
    %get3A_234 = vector.load %arg6[%get3A_231, %get3A_232, %get3A_233] : memref<4x132x260xbf16, #tpu.memory_space<vmem>>, vector<1x128x260xbf16>
    %get3A_235 = vector.shape_cast %get3A_234 : vector<1x128x260xbf16> to vector<128x260xbf16>
    %get3A_236 = arith.constant 4 : index
    %get3A_237 = arith.constant 0 : index
    %get3A_238 = arith.constant 0 : index
    %get3A_239 = vector.load %arg1[%get3A_236, %get3A_237, %get3A_238] : memref<5x260x256xbf16, #tpu.memory_space<vmem>>, vector<1x260x256xbf16>
    %get3A_240 = vector.shape_cast %get3A_239 : vector<1x260x256xbf16> to vector<260x256xbf16>
    %dot_general3A_241 = arith.constant dense<0.000000e+00> : vector<128x256xf32>
    %dot_general3A_242 = tpu.matmul %get3A_235, %get3A_240, %dot_general3A_241 {dimension_numbers = #tpu.dot_dimension_numbers<[1], [0], [0], [1], [0, 0, 1, 1], [], []>, transpose_lhs_hint = false} : vector<128x260xbf16>, vector<260x256xbf16>, vector<128x256xf32> -> vector<128x256xf32>
    %add3A_243 = arith.addf %add3A_230, %dot_general3A_242 : vector<128x256xf32>
    %swap3A_244 = arith.constant 2 : index
    %swap3A_245 = arith.constant 0 : index
    %swap3A_246 = arith.constant 0 : index
    %swap3A_247 = vector.load %arg7[%swap3A_244, %swap3A_245, %swap3A_246] : memref<4x128x256xf32, #tpu.memory_space<vmem>>, vector<1x128x256xf32>
    %swap3A_248 = vector.shape_cast %swap3A_247 : vector<1x128x256xf32> to vector<128x256xf32>
    %swap3A_249 = vector.shape_cast %add3A_243 : vector<128x256xf32> to vector<1x128x256xf32>
    tpu.vector_store %arg7[%swap3A_244, %swap3A_245, %swap3A_246], %swap3A_249 {strides = array<i32>} : memref<4x128x256xf32, #tpu.memory_space<vmem>>, vector<1x128x256xf32>,
    %broadcast_in_dim3A_250 = arith.constant 0.000000e+00 : f32
    %broadcast_in_dim3A_251 = vector.broadcast %broadcast_in_dim3A_250 : f32 to vector<128x256xf32>
    %get3A_252 = arith.constant 3 : index
    %get3A_253 = arith.constant 0 : index
    %get3A_254 = arith.constant 0 : index
    %get3A_255 = vector.load %arg6[%get3A_252, %get3A_253, %get3A_254] : memref<4x132x260xbf16, #tpu.memory_space<vmem>>, vector<1x128x260xbf16>
    %get3A_256 = vector.shape_cast %get3A_255 : vector<1x128x260xbf16> to vector<128x260xbf16>
    %get3A_257 = arith.constant 0 : index
    %get3A_258 = arith.constant 0 : index
    %get3A_259 = arith.constant 0 : index
    %get3A_260 = vector.load %arg1[%get3A_257, %get3A_258, %get3A_259] : memref<5x260x256xbf16, #tpu.memory_space<vmem>>, vector<1x260x256xbf16>
    %get3A_261 = vector.shape_cast %get3A_260 : vector<1x260x256xbf16> to vector<260x256xbf16>
    %dot_general3A_262 = arith.constant dense<0.000000e+00> : vector<128x256xf32>
    %dot_general3A_263 = tpu.matmul %get3A_256, %get3A_261, %dot_general3A_262 {dimension_numbers = #tpu.dot_dimension_numbers<[1], [0], [0], [1], [0, 0, 1, 1], [], []>, transpose_lhs_hint = false} : vector<128x260xbf16>, vector<260x256xbf16>, vector<128x256xf32> -> vector<128x256xf32>
    %add3A_264 = arith.addf %broadcast_in_dim3A_251, %dot_general3A_263 : vector<128x256xf32>
    %get3A_265 = arith.constant 3 : index
    %get3A_266 = arith.constant 1 : index
    %get3A_267 = arith.constant 0 : index
    %get3A_268 = vector.load %arg6[%get3A_265, %get3A_266, %get3A_267] : memref<4x132x260xbf16, #tpu.memory_space<vmem>>, vector<1x128x260xbf16>
    %get3A_269 = vector.shape_cast %get3A_268 : vector<1x128x260xbf16> to vector<128x260xbf16>
    %get3A_270 = arith.constant 1 : index
    %get3A_271 = arith.constant 0 : index
    %get3A_272 = arith.constant 0 : index
    %get3A_273 = vector.load %arg1[%get3A_270, %get3A_271, %get3A_272] : memref<5x260x256xbf16, #tpu.memory_space<vmem>>, vector<1x260x256xbf16>
    %get3A_274 = vector.shape_cast %get3A_273 : vector<1x260x256xbf16> to vector<260x256xbf16>
    %dot_general3A_275 = arith.constant dense<0.000000e+00> : vector<128x256xf32>
    %dot_general3A_276 = tpu.matmul %get3A_269, %get3A_274, %dot_general3A_275 {dimension_numbers = #tpu.dot_dimension_numbers<[1], [0], [0], [1], [0, 0, 1, 1], [], []>, transpose_lhs_hint = false} : vector<128x260xbf16>, vector<260x256xbf16>, vector<128x256xf32> -> vector<128x256xf32>
    %add3A_277 = arith.addf %add3A_264, %dot_general3A_276 : vector<128x256xf32>
    %get3A_278 = arith.constant 3 : index
    %get3A_279 = arith.constant 2 : index
    %get3A_280 = arith.constant 0 : index
    %get3A_281 = vector.load %arg6[%get3A_278, %get3A_279, %get3A_280] : memref<4x132x260xbf16, #tpu.memory_space<vmem>>, vector<1x128x260xbf16>
    %get3A_282 = vector.shape_cast %get3A_281 : vector<1x128x260xbf16> to vector<128x260xbf16>
    %get3A_283 = arith.constant 2 : index
    %get3A_284 = arith.constant 0 : index
    %get3A_285 = arith.constant 0 : index
    %get3A_286 = vector.load %arg1[%get3A_283, %get3A_284, %get3A_285] : memref<5x260x256xbf16, #tpu.memory_space<vmem>>, vector<1x260x256xbf16>
    %get3A_287 = vector.shape_cast %get3A_286 : vector<1x260x256xbf16> to vector<260x256xbf16>
    %dot_general3A_288 = arith.constant dense<0.000000e+00> : vector<128x256xf32>
    %dot_general3A_289 = tpu.matmul %get3A_282, %get3A_287, %dot_general3A_288 {dimension_numbers = #tpu.dot_dimension_numbers<[1], [0], [0], [1], [0, 0, 1, 1], [], []>, transpose_lhs_hint = false} : vector<128x260xbf16>, vector<260x256xbf16>, vector<128x256xf32> -> vector<128x256xf32>
    %add3A_290 = arith.addf %add3A_277, %dot_general3A_289 : vector<128x256xf32>
    %get3A_291 = arith.constant 3 : index
    %get3A_292 = arith.constant 3 : index
    %get3A_293 = arith.constant 0 : index
    %get3A_294 = vector.load %arg6[%get3A_291, %get3A_292, %get3A_293] : memref<4x132x260xbf16, #tpu.memory_space<vmem>>, vector<1x128x260xbf16>
    %get3A_295 = vector.shape_cast %get3A_294 : vector<1x128x260xbf16> to vector<128x260xbf16>
    %get3A_296 = arith.constant 3 : index
    %get3A_297 = arith.constant 0 : index
    %get3A_298 = arith.constant 0 : index
    %get3A_299 = vector.load %arg1[%get3A_296, %get3A_297, %get3A_298] : memref<5x260x256xbf16, #tpu.memory_space<vmem>>, vector<1x260x256xbf16>
    %get3A_300 = vector.shape_cast %get3A_299 : vector<1x260x256xbf16> to vector<260x256xbf16>
    %dot_general3A_301 = arith.constant dense<0.000000e+00> : vector<128x256xf32>
    %dot_general3A_302 = tpu.matmul %get3A_295, %get3A_300, %dot_general3A_301 {dimension_numbers = #tpu.dot_dimension_numbers<[1], [0], [0], [1], [0, 0, 1, 1], [], []>, transpose_lhs_hint = false} : vector<128x260xbf16>, vector<260x256xbf16>, vector<128x256xf32> -> vector<128x256xf32>
    %add3A_303 = arith.addf %add3A_290, %dot_general3A_302 : vector<128x256xf32>
    %get3A_304 = arith.constant 3 : index
    %get3A_305 = arith.constant 4 : index
    %get3A_306 = arith.constant 0 : index
    %get3A_307 = vector.load %arg6[%get3A_304, %get3A_305, %get3A_306] : memref<4x132x260xbf16, #tpu.memory_space<vmem>>, vector<1x128x260xbf16>
    %get3A_308 = vector.shape_cast %get3A_307 : vector<1x128x260xbf16> to vector<128x260xbf16>
    %get3A_309 = arith.constant 4 : index
    %get3A_310 = arith.constant 0 : index
    %get3A_311 = arith.constant 0 : index
    %get3A_312 = vector.load %arg1[%get3A_309, %get3A_310, %get3A_311] : memref<5x260x256xbf16, #tpu.memory_space<vmem>>, vector<1x260x256xbf16>
    %get3A_313 = vector.shape_cast %get3A_312 : vector<1x260x256xbf16> to vector<260x256xbf16>
    %dot_general3A_314 = arith.constant dense<0.000000e+00> : vector<128x256xf32>
    %dot_general3A_315 = tpu.matmul %get3A_308, %get3A_313, %dot_general3A_314 {dimension_numbers = #tpu.dot_dimension_numbers<[1], [0], [0], [1], [0, 0, 1, 1], [], []>, transpose_lhs_hint = false} : vector<128x260xbf16>, vector<260x256xbf16>, vector<128x256xf32> -> vector<128x256xf32>
    %add3A_316 = arith.addf %add3A_303, %dot_general3A_315 : vector<128x256xf32>
    %swap3A_317 = arith.constant 3 : index
    %swap3A_318 = arith.constant 0 : index
    %swap3A_319 = arith.constant 0 : index
    %swap3A_320 = vector.load %arg7[%swap3A_317, %swap3A_318, %swap3A_319] : memref<4x128x256xf32, #tpu.memory_space<vmem>>, vector<1x128x256xf32>
    %swap3A_321 = vector.shape_cast %swap3A_320 : vector<1x128x256xf32> to vector<128x256xf32>
    %swap3A_322 = vector.shape_cast %add3A_316 : vector<128x256xf32> to vector<1x128x256xf32>
    tpu.vector_store %arg7[%swap3A_317, %swap3A_318, %swap3A_319], %swap3A_322 {strides = array<i32>} : memref<4x128x256xf32, #tpu.memory_space<vmem>>, vector<1x128x256xf32>,
    %get3A_323 = arith.constant 0 : index
    %get3A_324 = arith.constant 0 : index
    %get3A_325 = arith.constant 0 : index
    %get3A_326 = vector.load %arg7[%get3A_323, %get3A_324, %get3A_325] : memref<4x128x256xf32, #tpu.memory_space<vmem>>, vector<4x128x256xf32>
    %bitcast_convert_type3A = tpu.bitcast %get3A_326 : vector<4x128x256xf32> -> vector<4x128x256xi32>
    %swap3A_327 = arith.constant 0 : index
    %swap3A_328 = arith.constant 0 : index
    %swap3A_329 = arith.constant 0 : index
    %swap3A_330 = arith.constant 0 : index
    %swap3A_331 = vector.load %arg4[%swap3A_327, %swap3A_328, %swap3A_329, %swap3A_330] : memref<1x4x128x256xi32, #tpu.memory_space<vmem>>, vector<1x4x128x256xi32>
    %swap3A_332 = vector.shape_cast %swap3A_331 : vector<1x4x128x256xi32> to vector<4x128x256xi32>
    %swap3A_333 = vector.shape_cast %bitcast_convert_type3A : vector<4x128x256xi32> to vector<1x4x128x256xi32>
    tpu.vector_store %arg4[%swap3A_327, %swap3A_328, %swap3A_329, %swap3A_330], %swap3A_333 {strides = array<i32>} : memref<1x4x128x256xi32, #tpu.memory_space<vmem>>, vector<1x4x128x256xi32>,
    %broadcast_in_dim3A_334 = arith.constant 0 : i32
    %broadcast_in_dim3A_335 = vector.broadcast %broadcast_in_dim3A_334 : i32 to vector<4x1x1xi32>
    %broadcast_in_dim3A_336 = arith.constant 1065353216 : i32
    %broadcast_in_dim3A_337 = vector.broadcast %broadcast_in_dim3A_336 : i32 to vector<4x1x1xi32>
    %scan3A = arith.constant 0 : i32
    %scan3A_338 = arith.constant 30 : i32
    %scan3A_339 = arith.addi %scan3A, %scan3A_338 : i32
    %scan3A_340 = arith.constant 1 : i32
    %scan3A_341:2 = scf.for %scan3A_350 = %scan3A to %scan3A_339 step %scan3A_340 iter_args(%scan3A_351 = %broadcast_in_dim3A_335, %scan3A_352 = %broadcast_in_dim3A_337) -> (vector<4x1x1xi32>, vector<4x1x1xi32>)  : i32 {
      %sub3A = arith.subi %scan3A_352, %scan3A_351 : vector<4x1x1xi32>
      %add3A_353 = arith.constant 1 : i32
      %add3A_354 = vector.broadcast %add3A_353 : i32 to vector<4x1x1xi32>
      %add3A_355 = arith.addi %sub3A, %add3A_354 : vector<4x1x1xi32>
      %jit3A = arith.constant 2 : i32
      %div3A = vector.broadcast %jit3A : i32 to vector<4x1x1xi32>
      %div3A_356 = arith.divsi %add3A_355, %div3A : vector<4x1x1xi32>
      %sign3A = arith.constant 0 : i32
      %sign3A_357 = vector.broadcast %sign3A : i32 to vector<4x1x1xi32>
      %sign3A_358 = arith.cmpi sgt, %add3A_355, %sign3A_357 : vector<4x1x1xi32>
      %sign3A_359 = arith.extui %sign3A_358 : vector<4x1x1xi1> to vector<4x1x1xi32>
      %sign3A_360 = arith.constant 0 : i32
      %sign3A_361 = vector.broadcast %sign3A_360 : i32 to vector<4x1x1xi32>
      %sign3A_362 = arith.cmpi slt, %add3A_355, %sign3A_361 : vector<4x1x1xi32>
      %sign3A_363 = arith.extui %sign3A_362 : vector<4x1x1xi1> to vector<4x1x1xi32>
      %sign3A_364 = arith.subi %sign3A_359, %sign3A_363 : vector<4x1x1xi32>
      %sign3A_365 = arith.constant 0 : i32
      %sign3A_366 = arith.cmpi sgt, %jit3A, %sign3A_365 : i32
      %sign3A_367 = arith.extui %sign3A_366 : i1 to i32
      %sign3A_368 = arith.constant 0 : i32
      %sign3A_369 = arith.cmpi slt, %jit3A, %sign3A_368 : i32
      %sign3A_370 = arith.extui %sign3A_369 : i1 to i32
      %sign3A_371 = arith.subi %sign3A_367, %sign3A_370 : i32
      %ne3A = vector.broadcast %sign3A_371 : i32 to vector<4x1x1xi32>
      %ne3A_372 = arith.cmpi ne, %sign3A_364, %ne3A : vector<4x1x1xi32>
      %rem3A = vector.broadcast %jit3A : i32 to vector<4x1x1xi32>
      %rem3A_373 = arith.remsi %add3A_355, %rem3A : vector<4x1x1xi32>
      %ne3A_374 = arith.constant 0 : i32
      %ne3A_375 = vector.broadcast %ne3A_374 : i32 to vector<4x1x1xi32>
      %ne3A_376 = arith.cmpi ne, %rem3A_373, %ne3A_375 : vector<4x1x1xi32>
      %and3A = arith.andi %ne3A_372, %ne3A_376 : vector<4x1x1xi1>
      %sub3A_377 = arith.constant 1 : i32
      %sub3A_378 = vector.broadcast %sub3A_377 : i32 to vector<4x1x1xi32>
      %sub3A_379 = arith.subi %div3A_356, %sub3A_378 : vector<4x1x1xi32>
      %select_n3A = arith.select %and3A, %sub3A_379, %div3A_356 : vector<4x1x1xi1>, vector<4x1x1xi32>
      %add3A_380 = arith.addi %scan3A_351, %select_n3A : vector<4x1x1xi32>
      %ge3A = vector.broadcast %add3A_380 : vector<4x1x1xi32> to vector<4x128x256xi32>
      %ge3A_381 = arith.cmpi sge, %bitcast_convert_type3A, %ge3A : vector<4x128x256xi32>
      %convert_element_type3A_382 = arith.extui %ge3A_381 : vector<4x128x256xi1> to vector<4x128x256xi32>
      %reduce_sum3A = arith.constant dense<0> : vector<4xi32>
      %reduce_sum3A_383 = vector.multi_reduction <add>, %convert_element_type3A_382, %reduce_sum3A [1, 2] : vector<4x128x256xi32> to vector<4xi32>
      %broadcast_in_dim3A_384 = vector.shape_cast %reduce_sum3A_383 : vector<4xi32> to vector<4x1x1xi32>
      %ge3A_385 = arith.constant 16384 : i32
      %ge3A_386 = vector.broadcast %ge3A_385 : i32 to vector<4x1x1xi32>
      %ge3A_387 = arith.cmpi sge, %broadcast_in_dim3A_384, %ge3A_386 : vector<4x1x1xi32>
      %select_n3A_388 = arith.select %ge3A_387, %add3A_380, %scan3A_351 : vector<4x1x1xi1>, vector<4x1x1xi32>
      %sub3A_389 = arith.constant 1 : i32
      %sub3A_390 = vector.broadcast %sub3A_389 : i32 to vector<4x1x1xi32>
      %sub3A_391 = arith.subi %add3A_380, %sub3A_390 : vector<4x1x1xi32>
      %select_n3A_392 = arith.select %ge3A_387, %scan3A_352, %sub3A_391 : vector<4x1x1xi1>, vector<4x1x1xi32>
      scf.yield %select_n3A_388, %select_n3A_392 : vector<4x1x1xi32>, vector<4x1x1xi32>
    }
    %reshape3A = vector.shape_cast %scan3A_341#0 : vector<4x1x1xi32> to vector<4x1xi32>
    %broadcast_in_dim3A_342 = vector.shape_cast %reshape3A : vector<4x1xi32> to vector<4x1xi32>
    %broadcast_in_dim3A_343 = vector.broadcast %broadcast_in_dim3A_342 : vector<4x1xi32> to vector<4x16xi32>
    %swap3A_344 = arith.constant 0 : index
    %swap3A_345 = arith.constant 0 : index
    %swap3A_346 = arith.constant 0 : index
    %swap3A_347 = vector.load %arg5[%swap3A_344, %swap3A_345, %swap3A_346] : memref<1x4x16xi32, #tpu.memory_space<vmem>>, vector<1x4x16xi32>
    %swap3A_348 = vector.shape_cast %swap3A_347 : vector<1x4x16xi32> to vector<4x16xi32>
    %swap3A_349 = vector.shape_cast %broadcast_in_dim3A_343 : vector<4x16xi32> to vector<1x4x16xi32>
    tpu.vector_store %arg5[%swap3A_344, %swap3A_345, %swap3A_346], %swap3A_349 {strides = array<i32>} : memref<1x4x16xi32, #tpu.memory_space<vmem>>, vector<1x4x16xi32>,
    return
  }
  func.func @transform_0(%arg0: i32) -> (i32, i32, i32) {
    %c0_i32 = arith.constant 0 : i32
    %c0_i32_0 = arith.constant 0 : i32
    %c0_i32_1 = arith.constant 0 : i32
    %c0_i32_2 = arith.constant 0 : i32
    return %c0_i32, %c0_i32_0, %c0_i32_1 : i32, i32, i32
  }
  func.func @transform_1(%arg0: i32) -> (i32, i32, i32, i32, i32) {
    %c0_i32 = arith.constant 0 : i32
    %c0_i32_0 = arith.constant 0 : i32
    %c0_i32_1 = arith.constant 0 : i32
    %c0_i32_2 = arith.constant 0 : i32
    %c0_i32_3 = arith.constant 0 : i32
    return %arg0, %c0_i32, %c0_i32_0, %c0_i32_1, %c0_i32_2 : i32, i32, i32, i32, i32
  }
  func.func @transform_2(%arg0: i32) -> (i32, i32, i32, i32, i32) {
    %c0_i32 = arith.constant 0 : i32
    %c0_i32_0 = arith.constant 0 : i32
    %c0_i32_1 = arith.constant 0 : i32
    %c0_i32_2 = arith.constant 0 : i32
    %c0_i32_3 = arith.constant 0 : i32
    return %arg0, %c0_i32, %c0_i32_0, %c0_i32_1, %c0_i32_2 : i32, i32, i32, i32, i32
  }
  func.func @transform_3(%arg0: i32) -> (i32, i32, i32, i32) {
    %c0_i32 = arith.constant 0 : i32
    %c0_i32_0 = arith.constant 0 : i32
    %c0_i32_1 = arith.constant 0 : i32
    %c0_i32_2 = arith.constant 0 : i32
    return %arg0, %c0_i32, %c0_i32_0, %c0_i32_1 : i32, i32, i32, i32
  }
  func.func @transform_4(%arg0: i32) -> (i32, i32, i32) {
    %c0_i32 = arith.constant 0 : i32
    %c0_i32_0 = arith.constant 0 : i32
    %c0_i32_1 = arith.constant 0 : i32
    return %arg0, %c0_i32, %c0_i32_0 : i32, i32, i32
  }
}

</mosaic_0001>

<sc_bundles>
// kernel: kernel.4.cloned.1.call-start
scs
__scs_entry_jumppad:
0x0: {  	(pc) =	sbr.rel $0x88, $3  }
0x1: {  	(tag) =	ssettag $0x0;
	lr =	simm.s32 $0x1  }
0x2: {  	[smem:$0x3F9F] =	sst lr;
	_ =	strace $0xD0000000  }
0x3: {  	_ = 	snop  }
0x4: {  	_ = 	snop  }
0x5: {  	_ = 	snop  }
0x6: {  	_ = 	snop  }
0x7: {  	_ = 	snop  }
__scs_overlays_trampoline_lowered:
0x8: {  	[smem:$0x3FAE] =	sst s0  }
0x9: {  	[smem:$0x3FAF] =	sst s1  }
0xa: {  	[smem:$0x3FB0] =	sst s2  }
0xb: {  	[smem:$0x3FB1] =	sst s3  }
0xc: {  	[smem:$0x3FB2] =	sst s4  }
0xd: {  	[smem:$0x3FB3] =	sst s5  }
0xe: {  	[smem:$0x3FB4] =	sst s6  }
0xf: {  	[smem:$0x3FB5] =	sst s7  }
0x10: {  	[smem:$0x3FB6] =	sst s8  }
0x11: {  	[smem:$0x3FB7] =	sst s9;
	s0 =	simm.s32 @!p0 $0x0  }
0x12: {  	s1 =	sld [smem:$0x3F9D];
	s0 =	simm.s32 @p0 $0x1  }
0x13: {  	[smem:$0x3FB8] =	sst s0;
	s0 =	simm.s32 @!p1 $0x0  }
0x14: {  	s2 =	sld [smem:$0x3F9C];
	s0 =	simm.s32 @p1 $0x1  }
0x15: {  	[smem:$0x3FB9] =	sst s0;
	s0 =	simm.s32 @!p2 $0x0  }
0x16: {  	s3 =	sld [smem:$0x3FDB];
	s0 =	simm.s32 @p2 $0x1  }
0x17: {  	s4 =	simm.s32 $0x1BF5;
	[smem:$0x3FBB] =	sst s0  }
0x18: {  	s0 =	sld [smem:$0x3F9E];
	_ =	swait.ge [sflag:s4], $0x0  }
0x19: {  	s7 =	sld [smem:$0x3F9F]  }
0x1a: {  	s8 =	sadd.s32 $0xFFFFE003, lr  }
0x1b: {  	s9 =	sadd.s32 $0xFFFFFEF7, lr;
	s5 =	simm.s32 $0xFFFFFFFF;
	p2 =	slt.u32 s8, $0xFFFFF086  }
0x1c: {  	p1 =	slt.u32 s9, $0xF7A;
	s5 =	simm.s32 @!p2 $0x0  }
0x1d: {  	s5 =	simm.s32 @p1 $0x1;
	p0 =	seq.s32 s7, s2  }
0x1e: {  	s7 =	smul.u32 @!p0 $0xF7A, s2;
	p2 =	seq.s32 @!p0 s5, $0x0  }
0x1f: {  	s9 =	smul.u32 $0xF7A, s1;
	s8 =	simm.s32 @!p0 $0x1BF5;
	p2 =	por !p2, p0  }
0x20: {  	[sflag:s8] =	ssyncset.s32 @!p0 $0xFFFFF086;
	s6 =	sadd.s32 @!p0 s3, s7;
	s7 =	simm.s32 @!p0 $0x108  }
0x21: {  	s3 =	sadd.s32 s3, s9;
	s6 =	sadd.s32 @!p0 $0x88, s6;
	s7 =	simm.s32 @p2 $0x1082  }
0x22: {  	[simem:s7], [sflag:s8] =	dma.local @!p0 [hbm:s6], $0xF7A  }
0x23: {  	s9 =	sor.u32 $0xD0000000, s2;
	s6 =	simm.s32 $0x108;
	_ =	swait.ge @!p0 [sflag:s8], $0x0  }
0x24: {  	s3 =	sadd.s32 $0x88, s3;
	s6 =	simm.s32 @!p1 $0x1082;
	[sflag:s4] =	ssyncset.s32 $0xFFFFF086  }
0x25: {  	[simem:s6], [sflag:s4] =	dma.local [hbm:s3], $0xF7A  }
0x26: {  	[smem:$0x3F9F] =	sst s1;
	(tag) =	ssettag s2;
	_ =	strace s9  }
0x27: {  	s1 =	sld [smem:$0x3FAF]  }
0x28: {  	s2 =	sld [smem:$0x3FB0]  }
0x29: {  	s4 =	sld [smem:$0x3FB2]  }
0x2a: {  	p0 =	seq.s32 s5, $0x0;
	s5 =	sld [smem:$0x3FB3]  }
0x2b: {  	s6 =	sld [smem:$0x3FB4]  }
0x2c: {  	s7 =	sld [smem:$0x3FB5]  }
0x2d: {  	s3 =	simm.s32 $0x108;
	s8 =	sld [smem:$0x3FB6]  }
0x2e: {  	s3 =	simm.s32 @!p0 $0x1082;
	s9 =	sld [smem:$0x3FB7]  }
0x2f: {  	lr =	sadd.s32 s0, s3;
	s0 =	sld [smem:$0x3FAE]  }
0x30: {  	s3 =	sld [smem:$0x3FB1]  }
0x31: {  	[smem:$0x3FBA] =	sst s10  }
0x32: {  	s10 =	sld [smem:$0x3FB8];
	_ =	sdelay $0x3  }
0x33: {  	p0 =	seq.s32 s10, $0x1;
	s10 =	sld [smem:$0x3FBA];
	_ =	sdelay $0x3  }
0x34: {  	[smem:$0x3FBA] =	sst s10  }
0x35: {  	s10 =	sld [smem:$0x3FB9];
	_ =	sdelay $0x3  }
0x36: {  	p1 =	seq.s32 s10, $0x1;
	s10 =	sld [smem:$0x3FBA];
	_ =	sdelay $0x3  }
0x37: {  	[smem:$0x3FBA] =	sst s10  }
0x38: {  	s10 =	sld [smem:$0x3FBB]  }
0x39: {  	_ = 	snop;
	(pc) =	sbr.ind lr, $3  }
0x3a: {  	_ = 	snop  }
0x3b: {  	_ = 	snop  }
0x3c: {  	p2 =	seq.s32 s10, $0x1;
	s10 =	sld [smem:$0x3FBA]  }
0x3d: {  	_ =	shalt  }
0x3e: {  	_ =	shalt  }
0x3f: {  	_ =	shalt  }
0x40: {  	_ =	shalt  }
0x41: {  	_ =	shalt  }
0x42: {  	_ =	shalt  }
0x43: {  	_ =	shalt  }
0x44: {  	_ =	shalt  }
0x45: {  	_ =	shalt  }
0x46: {  	_ =	shalt  }
0x47: {  	_ =	shalt  }
0x48: {  	_ =	shalt  }
0x49: {  	_ =	shalt  }
0x4a: {  	_ =	shalt  }
0x4b: {  	_ =	shalt  }
0x4c: {  	_ =	shalt  }
0x4d: {  	_ =	shalt  }
0x4e: {  	_ =	shalt  }
0x4f: {  	_ =	shalt  }
0x50: {  	_ =	shalt  }
0x51: {  	_ =	shalt  }
0x52: {  	_ =	shalt  }
0x53: {  	_ =	shalt  }
0x54: {  	_ =	shalt  }
0x55: {  	_ =	shalt  }
0x56: {  	_ =	shalt  }
0x57: {  	_ =	shalt  }
0x58: {  	_ =	shalt  }
0x59: {  	_ =	shalt  }
0x5a: {  	_ =	shalt  }
0x5b: {  	_ =	shalt  }
0x5c: {  	_ =	shalt  }
0x5d: {  	_ =	shalt  }
0x5e: {  	_ =	shalt  }
0x5f: {  	_ =	shalt  }
0x60: {  	_ =	shalt  }
0x61: {  	_ =	shalt  }
0x62: {  	_ =	shalt  }
0x63: {  	_ =	shalt  }
0x64: {  	_ =	shalt  }
0x65: {  	_ =	shalt  }
0x66: {  	_ =	shalt  }
0x67: {  	_ =	shalt  }
0x68: {  	_ =	shalt  }
0x69: {  	_ =	shalt  }
0x6a: {  	_ =	shalt  }
0x6b: {  	_ =	shalt  }
0x6c: {  	_ =	shalt  }
0x6d: {  	_ =	shalt  }
0x6e: {  	_ =	shalt  }
0x6f: {  	_ =	shalt  }
0x70: {  	_ =	shalt  }
0x71: {  	_ =	shalt  }
0x72: {  	_ =	shalt  }
0x73: {  	_ =	shalt  }
0x74: {  	_ =	shalt  }
0x75: {  	_ =	shalt  }
0x76: {  	_ =	shalt  }
0x77: {  	_ =	shalt  }
0x78: {  	_ =	shalt  }
0x79: {  	_ =	shalt  }
0x7a: {  	_ =	shalt  }
0x7b: {  	_ =	shalt  }
0x7c: {  	_ =	shalt  }
0x7d: {  	_ =	shalt  }
0x7e: {  	_ =	shalt  }
0x7f: {  	_ =	shalt  }
0x80: {  	_ =	shalt  }
0x81: {  	_ =	shalt  }
0x82: {  	_ =	shalt  }
0x83: {  	_ =	shalt  }
0x84: {  	_ =	shalt  }
0x85: {  	_ =	shalt  }
0x86: {  	_ =	shalt  }
0x87: {  	_ =	shalt  }
.Lfunc_end0:
.L_simem_size_0:
called_computation_lowered:
.L_overlay_start_0:
0x88: {  	s2 =	sld [smem:$0x3FD9]  }
0x89: {  	s3 =	sld [smem:$0x3FFE];
	_ =	sdelay $0x1  }
0x8a: {  	s1 =	srdreg.scid  }
0x8b: {  	s0 =	sand.u32 $0x1, s1  }
0x8c: {  	s14 =	sshll.u32 s0, $0xA;
	s2 =	sadd.s32 s3, s2  }
0x8d: {  	s2 =	sadd.s32 s2, s14  }
0x8e: {  	[smem:$0x3FC6] =	sst s2  }
0x8f: {  	_ = 	snop  }
0x90: {  	s2 =	sld [smem:$0x3FD0];
	_ =	sdelay $0x2  }
0x91: {  	s15 =	simm.s32 $0xA;
	s4 =	simm.s32 $0x10  }
0x92: {  	[smem:s4], [sflag:s15] =	dma.local [hbm:s2], $0x1  }
0x93: {  	_ =	swait.eq [sflag:s15], $0x1  }
0x94: {  	[sflag:s15] =	ssyncset.done $0x0  }
0x95: {  	[sflag:s15] =	ssyncadd.s32 $0xFFFFFFFF  }
0x96: {  	s16 =	sld [smem:$0x10];
	(tm) =	ssettm $0x1  }
0x97: {  	s17 =	sld [smem:$0x3FFB];
	_ =	sdelay $0x3  }
0x98: {  	_ =	strace s17  }
0x99: {  	s3 =	sld [smem:$0x3FFC];
	_ =	sdelay $0x3  }
0x9a: {  	_ =	strace s3  }
0x9b: {  	s3 =	sld [smem:$0x3FFD];
	_ =	sdelay $0x3  }
0x9c: {  	_ =	strace s3  }
0x9d: {  	_ =	strace $0x8FFFFFFF  }
0x9e: {  	s18 =	sld [smem:$0x3FDB];
	_ =	sdelay $0x1  }
0x9f: {  	s19 =	simm.s32 $_scs_section_size  }
0xa0: {  	s5 =	simm.s32 $_size__tile_overlayer_lowered;
	s6 =	simm.s32 $_tile_overlayer_lowered  }
0xa1: {  	s22 =	simm.s32 $0x1BFF;
	s21 =	sshll.u32 s6, $0x1;
	s3 =	sadd.s32 s19, s18  }
0xa2: {  	s7 =	simm.s32 $0x0;
	s20 =	sshll.u32 s5, $0x1;
	s5 =	sadd.s32 s21, s3  }
0xa3: {  	[timem:s7], [sflag:s22] =	dma.local [hbm:s5], s20  }
0xa4: {  	_ =	swait.ge [sflag:s22], s20  }
0xa5: {  	s4 =	ssub.s32 $0x0, s20;
	[sflag:s22] =	ssyncset.done $0x0  }
0xa6: {  	[sflag:s22] =	ssyncadd.s32 s4;
	_ =	sdelay $0x1  }
0xa7: {  	s23 =	simm.s32 $0x1B8B  }
0xa8: {  	_ =	swait.ge [sflag:s23], $0x1  }
0xa9: {  	[sflag:s23] =	ssyncset.done $0x0  }
0xaa: {  	s25 =	simm.s32 $0x1B8E;
	s24 =	sld [smem:$0x3FFE];
	[sflag:s23] =	ssyncadd.s32 $0xFFFFFFFF  }
0xab: {  	s26 =	simm.s32 $execute0_lowered;
	[smem:$0x3FD2] =	sst s25  }
0xac: {  	s5 =	sshll.u32 s26, $0x1;
	_ =	strace $0x80000046;
	[dreg:$0x1] =	wrdreg $0xFFFFFFFF  }
0xad: {  	s28 =	simm.s32 $_size_execute0_lowered;
	s3 =	sadd.s32 s3, s5;
	[dreg:$0x0] =	wrdreg $0x0  }
0xae: {  	s5 =	sshll.u32 s28, $0x1;
	[dreg:$0x2] =	wrdreg s3  }
0xaf: {  	[dreg:$0x3] =	wrdreg s5  }
0xb0: {  	[dreg:$0x4] =	wrdreg $0xC0  }
0xb1: {  	_ =	task [dreg:s7], $0x5FFFF  }
0xb2: {  	[dreg:$0x1] =	wrdreg $0xFFFFFFFF  }
0xb3: {  	[dreg:$0x0] =	wrdreg $0x60  }
0xb4: {  	[dreg:$0x2] =	wrdreg s16  }
0xb5: {  	[dreg:$0x3] =	wrdreg s24  }
0xb6: {  	[dreg:$0x4] =	wrdreg $0x9  }
0xb7: {  	_ =	task.clear_ibuf [dreg:s7], $0x5FFFF;
	_ =	strace $0x90000046  }
0xb8: {  	s29 =	simm.s32 $0x9;
	_ =	strace $0x80000048  }
0xb9: {  	_ =	swait.ge [sflag:s29], $0x1  }
0xba: {  	[sflag:s29] =	ssyncadd.s32 $0xFFFFFFFF  }
0xbb: {  	_ =	strace $0x90000048  }
0xbc: {  	_ =	sfence  }
0xbd: {  	s30 =	sld [smem:$0x0];
	_ =	sdelay $0x2  }
0xbe: {  	s31 =	sshll.u32 s1, $0xD;
	s1 =	sshrl.u32 s1, $0x2  }
0xbf: {  	s3 =	sand.u32 $0x4000, s31;
	s1 =	sadd.s32 s1, s30  }
0xc0: {  	s0 =	sor.u32 s3, s0;
	s1 =	sshll.u32 s1, $0x11  }
0xc1: {  	s0 =	sor.u32 s1, s0  }
0xc2: {  	s0 =	sadd.s32 $0x8F2B, s0  }
0xc3: {  	[sflag:s0] =	ssyncadd.remote.s32 $0x1  }
0xc4: {  	_ =	sfence.sel $0xFFFF  }
0xc5: {  	[dreg:$0x0] =	wrdreg $0xFFFFFFFF;
	(pc) =	sbr.abs _section_cstart, $3  }
0xc6: {  	[dreg:$0x1] =	wrdreg $0xFFFFFFFF  }
0xc7: {  	_ =	task.clear_ibuf [dreg:s7], $0x2FFFF;
	_ =	strace $0x9FFFFFFF  }
0xc8: {  	(tm) =	ssettm $0x7FFFFFFF  }
0xc9: {  	_ =	shalt  }
tec
execute0_lowered:
.L_overlay_start_1:
0x0: {  	(tag) =	ssettag $0x1  }
0x1: {  	s3 =	rddreg [dreg:$0x0]  }
0x2: {  	s4 =	rddreg [dreg:$0x1]  }
0x3: {  	s0 =	rddreg [dreg:$0x2];
	s2 =	simm.s32 $0x0  }
0x4: {  	s5 =	srdreg.scid;
	s1 =	stileid.u32;
	s10 =	simm.s32 $0x1  }
0x5: {  	s11 =	simm.s32 $0x8000;
	s12 =	simm.s32 $0x4000;
	s13 =	simm.s32 $0x8080  }
0x6: {  	s14 =	simm.s32 $0x0;
	[smem:$0x7FF] =	sst s2;
	s5 =	sand.u32 $0x1, s5  }
0x7: {  	s6 =	sshll.u32 s1, $0x8;
	s7 =	sshrl.u32 s1, $0x2;
	_ =	strace $0x80000047  }
0x8: {  	s8 =	sshll.u32 s5, $0x7;
	s6 =	sand.u32 $0x300, s6;
	s9 =	sshll.u32 s7, $0x11  }
0x9: {  	s7 =	sshll.u32 s7, $0xA;
	s5 =	ssub.s32 $0x2, s5;
	s6 =	sor.u32 s8, s6  }
0xa: {  	s30 =	sshrl.u32 s5, $0x1;
	s8 =	sor.u32 s9, s6;
	s6 =	sor.u32 s7, s6  }
0xb: {  	s9 =	simm.s32 $0x400;
	s29 =	sshrl.u32 s8, $0x3;
	s6 =	sshrl.u32 s6, $0x3  }
0xc: {  	s8 =	ssub.s32 s5, s30;
	s31 =	sadd.s32 s29, s4;
	s6 =	sadd.s32 s6, s4  }
0xd: {  	s3 =	sadd.s32 s3, s29;
	s7 =	smax.u32 s8, $0x1;
	s8 =	simm.s32 $0x80  }
0xe: {  	v0 =	vimm.f32 $0.0e+00;
	v1 =	vimm.s32 $0x0;
	s4 =	sadd.s32 $0x800, s6;
	s5 =	sadd.s32 $0xA00, s31;
	s6 =	sadd.s32 $0x10A00, s6  }
.LBB2_1:
0xf: {  	[tilespmem:s2], [sflag:$0x1] =	stream.strided.gather [hbm4b:s3+s8], $0x4000, s9, s8, $0x38;
	[tilespmem:$0x8100] =	vst v63  }
0x10: {  	_ =	swait.ge [sflag:s10], $0x4000  }
0x11: {  	[sflag:s10] =	ssyncset.done $0x0  }
0x12: {  	[sflag:s10] =	ssyncadd.s32 $0xFFFFC000  }
0x13: {  	[tilespmem:s11], [sflag:$0x1] =	stream.linear.gather [hbm4b:s4+s2], $0x80, $0x38;
	[tilespmem:$0x8100] =	vst v63  }
0x14: {  	_ =	swait.ge [sflag:s10], $0x80  }
0x15: {  	[sflag:s10] =	ssyncset.done $0x0  }
0x16: {  	[sflag:s10] =	ssyncadd.s32 $0xFFFFFF80  }
0x17: {  	s16 =	simm.s32 $0x0;
	v2 =	vld [tilespmem:$0x8000]  }
0x18: {  	v3 =	vld [tilespmem:s16+$0x0]  }
0x19: {  	v4 =	vld [tilespmem:s16+$0x10]  }
0x1a: {  	v5 =	vld [tilespmem:s16+$0x20];
	_ =	sdelay $0x2  }
0x1b: {  	v6 =	vld [tilespmem:s16+$0x30];
	vm0 =	vge.s32 v3, v2  }
0x1c: {  	v7 =	vld [tilespmem:s16+$0x40];
	v9 =	vsel vm0, $0x3F800000, v0;
	v3 =	vsel vm0, $0x1, v1;
	vm0 =	vge.s32 v4, v2  }
0x1d: {  	v8 =	vld [tilespmem:s16+$0x50];
	vm1 =	vge.s32 v5, v2;
	v4 =	vadd.s32 v3, v1;
	v10 =	vsel vm0, $0x1, v1  }
0x1e: {  	v5 =	vsel vm1, $0x1, v1;
	v3 =	vld [tilespmem:s16+$0x60];
	v4 =	vadd.s32 v10, v4  }
0x1f: {  	v5 =	vadd.s32 v5, v4;
	v4 =	vld [tilespmem:s16+$0x70]  }
0x20: {  	vm4 =	vge.s32 v6, v2  }
0x21: {  	vm2 =	vge.s32 v7, v2;
	v6 =	vsel vm4, $0x1, v1  }
0x22: {  	s15 =	simm.s32 $0x80;
	s17 =	simm.s32 $0x400;
	vm3 =	vge.s32 v8, v2;
	[tilespmem:s16+$0x4000] =	vst v9;
	v5 =	vadd.s32 v6, v5;
	v6 =	vsel vm2, $0x1, v1  }
.LBB2_2:
0x23: {  	p0 =	sne.s32 s17, $0xFE00;
	v7 =	vld [tilespmem:s15+$0x0];
	v5 =	vadd.s32 v6, v5;
	v6 =	vsel vm3, $0x1, v1;
	vm5 =	vge.s32 v3, v2  }
0x24: {  	v3 =	vld [tilespmem:s15+$0x10];
	v5 =	vadd.s32 v6, v5;
	v6 =	vsel vm5, $0x1, v1;
	vm6 =	vge.s32 v4, v2  }
0x25: {  	v8 =	vsel vm0, $0x3F800000, v0;
	v4 =	vld [tilespmem:s15+$0x20];
	v5 =	vadd.s32 v6, v5;
	v6 =	vsel vm6, $0x1, v1  }
0x26: {  	v10 =	vsel vm4, $0x3F800000, v0;
	v9 =	vld [tilespmem:s15+$0x30];
	[tilespmem:s16+$0x4010] =	vst v8;
	v8 =	vsel vm1, $0x3F800000, v0;
	v5 =	vadd.s32 v6, v5  }
0x27: {  	v11 =	vsel vm3, $0x3F800000, v0;
	v12 =	vsel vm5, $0x3F800000, v0;
	v6 =	vld [tilespmem:s15+$0x40];
	[tilespmem:s16+$0x4020] =	vst v8;
	v8 =	vsel vm2, $0x3F800000, v0  }
0x28: {  	vm0 =	vge.s32 v7, v2;
	v7 =	vld [tilespmem:s15+$0x50];
	[tilespmem:s16+$0x4030] =	vst v10;
	v10 =	vsel vm6, $0x3F800000, v0  }
.Ltmp0:
0x29: {  	v13 =	vsel vm0, $0x3F800000, v0;
	v14 =	vsel vm0, $0x1, v1;
	vm0 =	vge.s32 v3, v2;
	v3 =	vld [tilespmem:s15+$0x60];
	[tilespmem:s16+$0x4040] =	vst v8;
	(pc) =	sbr.rel @p0 .LBB2_2-.Ltmp0, $4  }
0x2a: {  	[tilespmem:s15+$0x4000] =	vst v13;
	v5 =	vadd.s32 v14, v5;
	v8 =	vsel vm0, $0x1, v1;
	vm1 =	vge.s32 v4, v2;
	v4 =	vld [tilespmem:s15+$0x70]  }
0x2b: {  	v5 =	vadd.s32 v8, v5;
	v8 =	vsel vm1, $0x1, v1;
	vm4 =	vge.s32 v9, v2;
	[tilespmem:s16+$0x4050] =	vst v11  }
0x2c: {  	v5 =	vadd.s32 v8, v5;
	v8 =	vsel vm4, $0x1, v1;
	vm2 =	vge.s32 v6, v2;
	[tilespmem:s16+$0x4060] =	vst v12  }
0x2d: {  	v5 =	vadd.s32 v8, v5;
	v6 =	vsel vm2, $0x1, v1;
	vm3 =	vge.s32 v7, v2;
	[tilespmem:s16+$0x4070] =	vst v10;
	s16 =	smov.u32 s15;
	s15 =	sshra.s32 s17, $0x2;
	s17 =	sadd.s32 $0x200, s17  }
0x2e: {  	v7 =	vld [tilespmem:s15+$0x0]  }
0x2f: {  	v8 =	vld [tilespmem:s15+$0x10]  }
0x30: {  	v9 =	vld [tilespmem:s15+$0x20];
	v10 =	vsel vm0, $0x3F800000, v0;
	v45 =	vsel vm1, $0x3F800000, v0  }
0x31: {  	v11 =	vld [tilespmem:s15+$0x30];
	v5 =	vadd.s32 v6, v5;
	v46 =	vsel vm3, $0x1, v1;
	vm6 =	vge.s32 v3, v2  }
0x32: {  	v3 =	vsel vm4, $0x3F800000, v0;
	[tilespmem:s16+$0x4010] =	vst v10;
	v5 =	vadd.s32 v46, v5;
	v47 =	vsel vm6, $0x1, v1  }
0x33: {  	v50 =	vsel vm3, $0x3F800000, v0;
	vm7 =	vge.s32 v4, v2;
	v12 =	vld [tilespmem:s15+$0x40];
	[tilespmem:s16+$0x4020] =	vst v45;
	v5 =	vadd.s32 v47, v5  }
0x34: {  	v49 =	vsel vm7, $0x1, v1;
	v10 =	vld [tilespmem:s15+$0x50];
	[tilespmem:s16+$0x4030] =	vst v3;
	v3 =	vsel vm2, $0x3F800000, v0;
	vm8 =	vge.s32 v7, v2  }
0x35: {  	v51 =	vsel vm6, $0x3F800000, v0;
	v5 =	vadd.s32 v49, v5;
	v48 =	vld [tilespmem:s15+$0x60];
	[tilespmem:s16+$0x4040] =	vst v3;
	v3 =	vsel vm8, $0x3F800000, v0  }
0x36: {  	vm9 =	vge.s32 v8, v2;
	vm10 =	vge.s32 v9, v2;
	vm11 =	vge.s32 v11, v2;
	[tilespmem:s15+$0x4000] =	vst v3  }
0x37: {  	v52 =	vld [tilespmem:s15+$0x70];
	v13 =	vsel vm8, $0x1, v1;
	v53 =	vsel vm9, $0x1, v1;
	v54 =	vsel vm10, $0x1, v1;
	[tilespmem:s16+$0x4050] =	vst v50  }
0x38: {  	v55 =	vsel vm11, $0x1, v1;
	v57 =	vsel vm11, $0x3F800000, v0;
	v3 =	vsel vm7, $0x3F800000, v0;
	[tilespmem:s16+$0x4060] =	vst v51  }
0x39: {  	v5 =	vadd.s32 v13, v5;
	vm12 =	vge.s32 v12, v2;
	[tilespmem:s16+$0x4070] =	vst v3;
	v3 =	vsel vm9, $0x3F800000, v0  }
0x3a: {  	v5 =	vadd.s32 v53, v5;
	v56 =	vsel vm12, $0x1, v1;
	vm13 =	vge.s32 v10, v2;
	[tilespmem:s15+$0x4010] =	vst v3  }
0x3b: {  	v59 =	vsel vm12, $0x3F800000, v0;
	v5 =	vadd.s32 v54, v5;
	v3 =	vsel vm10, $0x3F800000, v0;
	[tilespmem:s15+$0x4030] =	vst v57  }
0x3c: {  	v58 =	vsel vm13, $0x1, v1;
	vm14 =	vge.s32 v48, v2;
	[tilespmem:s15+$0x4040] =	vst v59;
	v5 =	vadd.s32 v55, v5  }
0x3d: {  	v60 =	vsel vm13, $0x3F800000, v0;
	[tilespmem:s15+$0x4020] =	vst v3;
	v61 =	vsel vm14, $0x1, v1;
	v3 =	vadd.s32 v56, v5  }
0x3e: {  	vm15 =	vge.s32 v52, v2;
	v2 =	vsel vm14, $0x3F800000, v0;
	[tilespmem:s15+$0x4050] =	vst v60;
	v3 =	vadd.s32 v58, v3  }
0x3f: {  	v62 =	vsel vm15, $0x1, v1;
	v63 =	vsel vm15, $0x3F800000, v0;
	[tilespmem:s15+$0x4060] =	vst v2;
	v3 =	vadd.s32 v61, v3  }
0x40: {  	[tilespmem:s15+$0x4070] =	vst v63;
	v2 =	vadd.s32 v62, v3  }
0x41: {  	[tilespmem:$0x8080] =	vst v2  }
0x42: {  	[hbm4b:s5+s8] =	stream.strided.scatter [tilespmem:s12], [sflag:$0x1], $0x4000, s9, s8, $0x38;
	[tilespmem:$0x8100] =	vst v63  }
0x43: {  	s14 =	sadd.s32 $0x1, s14;
	_ =	swait.ge [sflag:s10], $0x4000  }
0x44: {  	p0 =	sne.s32 s14, s7;
	[sflag:s10] =	ssyncset.done $0x0  }
.Ltmp1:
0x45: {  	[sflag:s10] =	ssyncadd.s32 $0xFFFFC000;
	(pc) =	sbr.rel @p0 .LBB2_1-.Ltmp1, $4  }
0x46: {  	[hbm4b:s6+s2] =	stream.linear.scatter [tilespmem:s13], [sflag:$0x1], $0x80, $0x38;
	[tilespmem:$0x8100] =	vst v63  }
0x47: {  	_ =	swait.ge [sflag:s10], $0x80  }
0x48: {  	[sflag:s10] =	ssyncset.done $0x0  }
0x49: {  	[sflag:s10] =	ssyncadd.s32 $0xFFFFFF80  }
0x4a: {  	_ =	sfence.sel $0x180000  }
0x4b: {  	[bflag:$0x0] =	sbarrier.arrive $0xFFFF  }
0x4c: {  	p0 =	sne.s32 s1, $0x0;
	_ =	strace $0x90000047  }
0x4d: {  	s0 =	sadd.s32 @!p0 $0x100000, s0;
	[bflag:$0x2] =	sbarrier.arrive $0xFFFF  }
0x4e: {  	[sflag:s0] =	ssyncadd.tile.s32 @!p0 $0x1;
	_ =	shalt  }
.Lfunc_end2:
_tile_overlayer_lowered:
.L_overlay_start_2:
0x4f: {  	(tag) =	ssettag $0x2  }
0x50: {  	s0 =	rddreg [dreg:$0x0];
	s2 =	stileid.u32  }
0x51: {  	s1 =	rddreg [dreg:$0x1];
	p0 =	sne.s32 s2, $0x0  }
0x52: {  	s3 =	rddreg [dreg:$0x2];
	[bflag:$0x3] =	sbarrier.arrive $0xFFFF;
	s2 =	simm.s32 @!p0 $0x1C01  }
0x53: {  	[timem:s3], [sflag:s2] =	dma.local @!p0 [hbm:s0], s1  }
0x54: {  	s0 =	simm.s32 @!p0 $0x1  }
0x55: {  	_ =	swait.ge @!p0 [sflag:s0], s1  }
0x56: {  	s1 =	ssub.s32 @!p0 $0x0, s1;
	[sflag:s0] =	ssyncset.done @!p0 $0x0  }
0x57: {  	[sflag:s0] =	ssyncadd.s32 @!p0 s1  }
0x58: {  	[bflag:$0x3] =	sbarrier.arrive $0xFFFF  }
0x59: {  	_ =	shalt  }

</sc_bundles>
